<compile_context>
chip_gen: v7x
topology: tpu7x:2x2x1
jax: 0.10.2.dev20260603
libtpu: 0.0.44.dev20260713+nightly
codegen_flags: <defaults>
</compile_context>

<pallas_src>
import functools

import jax
import jax.numpy as jnp
from jax import lax
from jax.experimental import pallas as pl
from jax.experimental.pallas import tpu as pltpu
from jax.experimental.pallas import tpu_sc as plsc

B = 4096
D = 256
N_ATOM_CLASSES = 100
NUM_CLASSES = 41
GL = 128

_NC = 2
_NS = 16
_NW = _NC * _NS
_L = 16


def _dot(a, b):
    return jnp.dot(a, b, preferred_element_type=jnp.float32,
                   precision=lax.Precision.DEFAULT)


def _tc_body(z1_ref, z2r_ref, eps_ref, nat_ref, latt_ref,
             wmu_ref, wsig_ref, wlatt_ref, watom_ref, wnum_ref,
             wp1_ref, wp2_ref, par_ref,
             partial_ref, g_ref):
    f32 = jnp.float32
    b_mu = par_ref[0:1, :]
    b_sigma = par_ref[1:2, :]
    b_p1 = par_ref[2:3, :]
    gamma = par_ref[3:4, :]
    beta = par_ref[4:5, :]
    b_p2 = par_ref[5:6, :]
    b_latt = par_ref[6:7, 0:6]
    b_atom = par_ref[7:8, 0:N_ATOM_CLASSES]
    b_num = par_ref[8:9, 0:NUM_CLASSES]
    smean = par_ref[9:10, 0:6]
    sstd = par_ref[10:11, 0:6]

    z2r = z2r_ref[...]
    mu = _dot(z2r, wmu_ref[...]) + b_mu
    logvar = _dot(z2r, wsig_ref[...]) + b_sigma
    std = jnp.exp(0.5 * logvar)
    z2 = eps_ref[...] * std + mu

    kld = jnp.mean(
        -0.5 * jnp.sum(1.0 + logvar - mu * mu - std * std,
                       axis=1, keepdims=True))

    h = _dot(z1_ref[...], wp1_ref[...]) + b_p1
    m = jnp.mean(h, axis=0, keepdims=True)
    v = jnp.mean((h - m) * (h - m), axis=0, keepdims=True)
    h = (h - m) / jnp.sqrt(v + 1e-5) * gamma + beta
    h = jnp.maximum(h, 0.0)
    p1 = _dot(h, wp2_ref[...]) + b_p2

    dot_pz = jnp.sum(p1 * z2, axis=1, keepdims=True)
    np1 = jnp.sqrt(jnp.sum(p1 * p1, axis=1, keepdims=True))
    nz2 = jnp.sqrt(jnp.sum(z2 * z2, axis=1, keepdims=True))
    den = jnp.maximum(np1 * nz2, 1e-8)
    cos_loss = -jnp.mean(dot_pz / den)

    pred_latt = _dot(z2, wlatt_ref[...]) + b_latt
    tgt = (latt_ref[...] - smean) / sstd
    dl = pred_latt - tgt
    latt_loss = jnp.mean(dl * dl) * 10.0

    ln = _dot(z2, wnum_ref[...]) + b_num
    mx_n = jnp.max(ln, axis=1, keepdims=True)
    lse_n = mx_n + jnp.log(jnp.sum(jnp.exp(ln - mx_n), axis=1, keepdims=True))
    iota_n = lax.broadcasted_iota(jnp.int32, (B, NUM_CLASSES), 1)
    tl_n = jnp.sum(jnp.where(iota_n == nat_ref[...], ln, 0.0),
                   axis=1, keepdims=True)
    num_loss = jnp.mean(lse_n - tl_n)

    la = _dot(z2, watom_ref[...]) + b_atom
    mx_a = jnp.max(la, axis=1, keepdims=True)
    lse_a = mx_a + jnp.log(jnp.sum(jnp.exp(la - mx_a), axis=1, keepdims=True))
    inv_n = 1.0 / nat_ref[...].astype(f32)
    g_ref[:, 0:N_ATOM_CLASSES] = la * (inv_n * (1.0 / B))

    total = cos_loss + latt_loss + kld + num_loss + jnp.mean(lse_a)
    partial_ref[...] = total.reshape(1, 1)


def _make_sc_kernel(n_atoms, c_per_w):
    mesh = plsc.VectorSubcoreMesh(core_axis_name="c", subcore_axis_name="s")

    @functools.partial(
        pl.kernel,
        out_type=jax.ShapeDtypeStruct((_NW, _L), jnp.float32),
        mesh=mesh,
        scratch_types=[
            pltpu.VMEM((c_per_w,), jnp.int32),
            pltpu.VMEM((c_per_w,), jnp.int32),
            pltpu.VMEM((c_per_w,), jnp.int32),
            pltpu.VMEM((c_per_w,), jnp.float32),
            pltpu.VMEM((_L,), jnp.float32),
            pltpu.SemaphoreType.DMA,
            pltpu.SemaphoreType.DMA,
        ],
    )
    def sc_gather_sum(g_hbm, b_hbm, a_hbm, out_hbm, bv, av, fv, vv, accv,
                      sem_in, sem_g):
        wid = lax.axis_index("s") * _NC + lax.axis_index("c")
        base = wid * c_per_w
        cb = pltpu.async_copy(b_hbm.at[pl.ds(base, c_per_w)], bv, sem_in)
        ca = pltpu.async_copy(a_hbm.at[pl.ds(base, c_per_w)], av, sem_in)
        cb.wait()
        ca.wait()

        def fire(j, carry):
            for k in range(128 // _L):
                s = pl.ds(j * 128 + k * _L, _L)
                fv[s] = bv[s] * GL + av[s] - 1
            s128 = pl.ds(j * 128, 128)
            pltpu.async_copy(g_hbm.at[fv.at[s128]], vv.at[s128], sem_g)
            return carry

        lax.fori_loop(0, c_per_w // 128, fire, 0)

        pltpu.make_async_copy(g_hbm.at[pl.ds(0, c_per_w)], vv, sem_g).wait()

        nvalid = n_atoms - base

        def abody(j, acc):
            for k in range(128 // _L):
                off = j * 128 + k * _L
                lane = lax.iota(jnp.int32, _L) + off
                acc = acc + jnp.where(lane < nvalid, vv[pl.ds(off, _L)], 0.0)
            return acc

        acc = lax.fori_loop(0, c_per_w // 128, abody,
                            jnp.zeros((_L,), jnp.float32))
        accv[...] = acc
        pltpu.sync_copy(accv, out_hbm.at[wid])

    return sc_gather_sum


def kernel(z1, z2_raw, eps, num_atoms, atomic_nums, batch, lscaled_lattice,
           W_mu, b_mu, W_sigma, b_sigma, W_latt, b_latt, W_atom, b_atom,
           W_num, b_num, W_p1, b_p1, gamma, beta, W_p2, b_p2,
           scaler_mean, scaler_std):
    f32 = jnp.float32
    n_atoms = atomic_nums.shape[0]
    n_pad = -n_atoms % (_NW * 128)
    c_per_w = (n_atoms + n_pad) // _NW

    def row(v):
        return jnp.pad(v.astype(f32), (0, D - v.shape[0]))[None, :]

    packed = jnp.concatenate([
        row(b_mu), row(b_sigma), row(b_p1), row(gamma), row(beta), row(b_p2),
        row(b_latt), row(b_atom), row(b_num),
        row(scaler_mean), row(scaler_std),
    ], axis=0)

    partial, g = pl.pallas_call(
        _tc_body,
        out_shape=[
            jax.ShapeDtypeStruct((1, 1), f32),
            jax.ShapeDtypeStruct((B, GL), f32),
        ],
    )(z1, z2_raw, eps,
      num_atoms.astype(jnp.int32).reshape(B, 1),
      lscaled_lattice,
      W_mu, W_sigma, W_latt, W_atom, W_num, W_p1, W_p2, packed)

    batch_p = jnp.concatenate([batch, jnp.zeros((n_pad,), jnp.int32)])
    anum_p = jnp.concatenate([atomic_nums, jnp.ones((n_pad,), jnp.int32)])

    sc_parts = _make_sc_kernel(n_atoms, c_per_w)(
        g.reshape(B * GL), batch_p, anum_p)

    return partial[0, 0] - jnp.sum(sc_parts)

# --- scband reference (transcript-rebuilt; emitter-appended) ---
"""Pipeline reference for scband-crys-dvae-21019569946829 (READ-ONLY COPY).

The authoritative reference and input builder live on the scoring server;
editing this copy changes nothing except your own understanding.
"""

import jax, jax.numpy as jnp
import numpy as np

B = 4096
D = 256
N_ATOM_CLASSES = 100
NUM_CLASSES = 41


def _ce(logits, targets):
    lse = jax.nn.logsumexp(logits, axis=1)
    tl = jnp.take_along_axis(logits, targets[:, None], axis=1)[:, 0]
    return lse - tl


def setup_inputs(seed: int = 0):
    key = jax.random.key(seed)
    ks = jax.random.split(key, 30)
    num_atoms = np.asarray(10 + (np.arange(B) % 21), dtype=np.int32)
    N = int(num_atoms.sum())
    batch = np.repeat(np.arange(B, dtype=np.int32), num_atoms)
    s = 0.02
    inp = {
        'z1': jax.random.normal(ks[0], (B, D), jnp.float32),
        'z2_raw': jax.random.normal(ks[1], (B, D), jnp.float32),
        'eps': jax.random.normal(ks[2], (B, D), jnp.float32),
        'num_atoms': jnp.asarray(num_atoms),
        'atomic_nums': jax.random.randint(ks[3], (N,), 1, N_ATOM_CLASSES + 1, jnp.int32),
        'batch': jnp.asarray(batch),
        'lscaled_lattice': jax.random.normal(ks[4], (B, 6), jnp.float32),
        'W_mu': jax.random.normal(ks[5], (D, D), jnp.float32) * s,
        'b_mu': jnp.zeros((D,), jnp.float32),
        'W_sigma': jax.random.normal(ks[6], (D, D), jnp.float32) * s,
        'b_sigma': jnp.zeros((D,), jnp.float32),
        'W_latt': jax.random.normal(ks[7], (D, 6), jnp.float32) * s,
        'b_latt': jnp.zeros((6,), jnp.float32),
        'W_atom': jax.random.normal(ks[8], (D, N_ATOM_CLASSES), jnp.float32) * s,
        'b_atom': jnp.zeros((N_ATOM_CLASSES,), jnp.float32),
        'W_num': jax.random.normal(ks[9], (D, NUM_CLASSES), jnp.float32) * s,
        'b_num': jnp.zeros((NUM_CLASSES,), jnp.float32),
        'W_p1': jax.random.normal(ks[10], (D, D), jnp.float32) * s,
        'b_p1': jnp.zeros((D,), jnp.float32),
        'gamma': jnp.ones((D,), jnp.float32),
        'beta': jnp.zeros((D,), jnp.float32),
        'W_p2': jax.random.normal(ks[11], (D, D), jnp.float32) * s,
        'b_p2': jnp.zeros((D,), jnp.float32),
        'scaler_mean': jax.random.normal(ks[12], (6,), jnp.float32) * 0.5,
        'scaler_std': jnp.abs(jax.random.normal(ks[13], (6,), jnp.float32)) + 0.5,
    }
    return inp


def reference(z1, z2_raw, eps, num_atoms, atomic_nums, batch, lscaled_lattice,
              W_mu, b_mu, W_sigma, b_sigma, W_latt, b_latt, W_atom, b_atom,
              W_num, b_num, W_p1, b_p1, gamma, beta, W_p2, b_p2,
              scaler_mean, scaler_std):
    mu = z2_raw @ W_mu + b_mu
    logvar = z2_raw @ W_sigma + b_sigma
    std = jnp.exp(0.5 * logvar)
    z2 = eps * std + mu
    # proj(z1): Linear -> BatchNorm1d (training stats) -> ReLU -> Linear
    h = z1 @ W_p1 + b_p1
    m = jnp.mean(h, axis=0)
    v = jnp.var(h, axis=0)
    h = (h - m) / jnp.sqrt(v + 1e-5) * gamma + beta
    h = jax.nn.relu(h)
    p1 = h @ W_p2 + b_p2
    num = jnp.sum(p1 * z2, axis=1)
    den = jnp.maximum(jnp.linalg.norm(p1, axis=1) * jnp.linalg.norm(z2, axis=1), 1e-8)
    cos_loss = -jnp.mean(num / den)
    # lattice head
    pred_latt = z2 @ W_latt + b_latt
    scaled = pred_latt * scaler_std + scaler_mean
    pred_lengths = scaled[:, :3] * (num_atoms[:, None].astype(jnp.float32) ** (1.0 / 3.0))
    pred_angles = scaled[:, 3:]
    tgt = (lscaled_lattice - scaler_mean) / scaler_std
    latt_loss = jnp.mean((pred_latt - tgt) ** 2) * 10.0
    # per-atom composition head: repeat_interleave as gather by graph id
    z_per_atom = jnp.take(z2, batch, axis=0)
    pred_comp = z_per_atom @ W_atom + b_atom
    per_atom = _ce(pred_comp, atomic_nums - 1)
    seg_sum = jax.ops.segment_sum(per_atom, batch, num_segments=B)
    seg_cnt = jax.ops.segment_sum(jnp.ones_like(per_atom), batch, num_segments=B)
    atom_loss = jnp.mean(seg_sum / jnp.maximum(seg_cnt, 1.0))
    pred_nums = z2 @ W_num + b_num
    num_loss = jnp.mean(_ce(pred_nums, num_atoms.astype(jnp.int32)))
    kld_loss = jnp.mean(-0.5 * jnp.sum(1.0 + logvar - mu ** 2 - jnp.exp(logvar), axis=1))
    loss = cos_loss + atom_loss + latt_loss + kld_loss + num_loss
    return loss

if __name__ == "__main__":
    import jax
    _d = setup_inputs()
    print(jax.jit(kernel)(*tuple(_d.values())))

</pallas_src>

<mosaic_0001>
#map = affine_map<(d0, d1) -> (0)>
#map1 = affine_map<(d0, d1) -> (0, 0)>
module attributes {stable_mosaic.version = 14 : i64} {
  func.func @sc_gather_sum(%arg0: i32, %arg1: i32, %arg2: memref<524288xf32, #tpu.memory_space<hbm>>, %arg3: memref<81920xi32, #tpu.memory_space<hbm>>, %arg4: memref<81920xi32, #tpu.memory_space<hbm>>, %arg5: memref<32x16xf32, #tpu.memory_space<hbm>>, %arg6: memref<2560xi32, #tpu.memory_space<vmem>>, %arg7: memref<2560xi32, #tpu.memory_space<vmem>>, %arg8: memref<2560xi32, #tpu.memory_space<vmem>>, %arg9: memref<2560xf32, #tpu.memory_space<vmem>>, %arg10: memref<16xf32, #tpu.memory_space<vmem>>, %arg11: memref<!tpu.dma_semaphore, #tpu.memory_space<semaphore_mem>>, %arg12: memref<!tpu.dma_semaphore, #tpu.memory_space<semaphore_mem>>) attributes {dimension_semantics = [#tpu.dimension_semantics<core_parallel>, #tpu.dimension_semantics<subcore_parallel>], iteration_bounds = array<i64: 2, 16>, scalar_prefetch = 0 : i64, scratch_operands = 7 : i64, tpu.core_type = #tpu.core_type<sc_vector_subcore>, window_params = [{transform_indices = #map}, {transform_indices = #map}, {transform_indices = #map}, {transform_indices = #map1}]} {
    %mul3A = arith.constant 2 : i32
    %mul3A_0 = arith.muli %arg1, %mul3A : i32
    %add3A = arith.addi %mul3A_0, %arg0 : i32
    %mul3A_1 = arith.constant 2560 : i32
    %mul3A_2 = arith.muli %add3A, %mul3A_1 : i32
    %dma_start3A = tpu.memref_slice %arg3[%mul3A_2] : memref<81920xi32, #tpu.memory_space<hbm>> -> memref<2560xi32, #tpu.memory_space<hbm>>
    %dma_start3A_3 = tpu.memref_slice %arg3[%mul3A_2] : memref<81920xi32, #tpu.memory_space<hbm>> -> memref<2560xi32, #tpu.memory_space<hbm>>
    tpu.enqueue_dma source(%dma_start3A_3 : memref<2560xi32, #tpu.memory_space<hbm>>) target(%arg6 : memref<2560xi32, #tpu.memory_space<vmem>>) target_semaphore(%arg11 : memref<!tpu.dma_semaphore, #tpu.memory_space<semaphore_mem>>)
    %dma_start3A_4 = tpu.memref_slice %arg4[%mul3A_2] : memref<81920xi32, #tpu.memory_space<hbm>> -> memref<2560xi32, #tpu.memory_space<hbm>>
    %dma_start3A_5 = tpu.memref_slice %arg4[%mul3A_2] : memref<81920xi32, #tpu.memory_space<hbm>> -> memref<2560xi32, #tpu.memory_space<hbm>>
    tpu.enqueue_dma source(%dma_start3A_5 : memref<2560xi32, #tpu.memory_space<hbm>>) target(%arg7 : memref<2560xi32, #tpu.memory_space<vmem>>) target_semaphore(%arg11 : memref<!tpu.dma_semaphore, #tpu.memory_space<semaphore_mem>>)
    %dma_wait3A = tpu.memref_slice %arg3[%mul3A_2] : memref<81920xi32, #tpu.memory_space<hbm>> -> memref<2560xi32, #tpu.memory_space<hbm>>
    %dma_wait3A_6 = tpu.memref_slice %arg3[%mul3A_2] : memref<81920xi32, #tpu.memory_space<hbm>> -> memref<2560xi32, #tpu.memory_space<hbm>>
    tpu.wait_dma2 semaphore(%arg11 : memref<!tpu.dma_semaphore, #tpu.memory_space<semaphore_mem>>) src(%dma_wait3A_6 : memref<2560xi32, #tpu.memory_space<hbm>>) dst(%arg6 : memref<2560xi32, #tpu.memory_space<vmem>>)
    %dma_wait3A_7 = tpu.memref_slice %arg4[%mul3A_2] : memref<81920xi32, #tpu.memory_space<hbm>> -> memref<2560xi32, #tpu.memory_space<hbm>>
    %dma_wait3A_8 = tpu.memref_slice %arg4[%mul3A_2] : memref<81920xi32, #tpu.memory_space<hbm>> -> memref<2560xi32, #tpu.memory_space<hbm>>
    tpu.wait_dma2 semaphore(%arg11 : memref<!tpu.dma_semaphore, #tpu.memory_space<semaphore_mem>>) src(%dma_wait3A_8 : memref<2560xi32, #tpu.memory_space<hbm>>) dst(%arg7 : memref<2560xi32, #tpu.memory_space<vmem>>)
    %scan3A = arith.constant 0 : i32
    %scan3A_9 = arith.constant 0 : i32
    %scan3A_10 = arith.constant 20 : i32
    %scan3A_11 = arith.addi %scan3A_9, %scan3A_10 : i32
    %scan3A_12 = arith.constant 1 : i32
    scf.for %scan3A_29 = %scan3A_9 to %scan3A_11 step %scan3A_12  : i32 {
      %mul3A_30 = arith.constant 128 : i32
      %mul3A_31 = arith.muli %scan3A_29, %mul3A_30 : i32
      %add3A_32 = arith.constant 0 : i32
      %add3A_33 = arith.addi %mul3A_31, %add3A_32 : i32
      %get3A = arith.index_cast %add3A_33 : i32 to index
      %get3A_34 = tpu.vector_load %arg6[%get3A] {strides = array<i32>} : memref<2560xi32, #tpu.memory_space<vmem>>, vector<16xi32>,
      %get3A_35 = vector.shape_cast %get3A_34 : vector<16xi32> to vector<16xi32>
      %mul3A_36 = arith.constant 128 : i32
      %mul3A_37 = vector.broadcast %mul3A_36 : i32 to vector<16xi32>
      %mul3A_38 = arith.muli %get3A_35, %mul3A_37 : vector<16xi32>
      %get3A_39 = arith.index_cast %add3A_33 : i32 to index
      %get3A_40 = tpu.vector_load %arg7[%get3A_39] {strides = array<i32>} : memref<2560xi32, #tpu.memory_space<vmem>>, vector<16xi32>,
      %get3A_41 = vector.shape_cast %get3A_40 : vector<16xi32> to vector<16xi32>
      %add3A_42 = arith.addi %mul3A_38, %get3A_41 : vector<16xi32>
      %sub3A_43 = arith.constant 1 : i32
      %sub3A_44 = vector.broadcast %sub3A_43 : i32 to vector<16xi32>
      %sub3A_45 = arith.subi %add3A_42, %sub3A_44 : vector<16xi32>
      %swap3A_46 = arith.index_cast %add3A_33 : i32 to index
      %swap3A_47 = tpu.vector_load %arg8[%swap3A_46] {strides = array<i32>} : memref<2560xi32, #tpu.memory_space<vmem>>, vector<16xi32>,
      %swap3A_48 = vector.shape_cast %swap3A_47 : vector<16xi32> to vector<16xi32>
      %swap3A_49 = vector.shape_cast %sub3A_45 : vector<16xi32> to vector<16xi32>
      tpu.vector_store %arg8[%swap3A_46], %swap3A_49 {strides = array<i32>} : memref<2560xi32, #tpu.memory_space<vmem>>, vector<16xi32>,
      %mul3A_50 = arith.constant 128 : i32
      %mul3A_51 = arith.muli %scan3A_29, %mul3A_50 : i32
      %add3A_52 = arith.constant 16 : i32
      %add3A_53 = arith.addi %mul3A_51, %add3A_52 : i32
      %get3A_54 = arith.index_cast %add3A_53 : i32 to index
      %get3A_55 = tpu.vector_load %arg6[%get3A_54] {strides = array<i32>} : memref<2560xi32, #tpu.memory_space<vmem>>, vector<16xi32>,
      %get3A_56 = vector.shape_cast %get3A_55 : vector<16xi32> to vector<16xi32>
      %mul3A_57 = arith.constant 128 : i32
      %mul3A_58 = vector.broadcast %mul3A_57 : i32 to vector<16xi32>
      %mul3A_59 = arith.muli %get3A_56, %mul3A_58 : vector<16xi32>
      %get3A_60 = arith.index_cast %add3A_53 : i32 to index
      %get3A_61 = tpu.vector_load %arg7[%get3A_60] {strides = array<i32>} : memref<2560xi32, #tpu.memory_space<vmem>>, vector<16xi32>,
      %get3A_62 = vector.shape_cast %get3A_61 : vector<16xi32> to vector<16xi32>
      %add3A_63 = arith.addi %mul3A_59, %get3A_62 : vector<16xi32>
      %sub3A_64 = arith.constant 1 : i32
      %sub3A_65 = vector.broadcast %sub3A_64 : i32 to vector<16xi32>
      %sub3A_66 = arith.subi %add3A_63, %sub3A_65 : vector<16xi32>
      %swap3A_67 = arith.index_cast %add3A_53 : i32 to index
      %swap3A_68 = tpu.vector_load %arg8[%swap3A_67] {strides = array<i32>} : memref<2560xi32, #tpu.memory_space<vmem>>, vector<16xi32>,
      %swap3A_69 = vector.shape_cast %swap3A_68 : vector<16xi32> to vector<16xi32>
      %swap3A_70 = vector.shape_cast %sub3A_66 : vector<16xi32> to vector<16xi32>
      tpu.vector_store %arg8[%swap3A_67], %swap3A_70 {strides = array<i32>} : memref<2560xi32, #tpu.memory_space<vmem>>, vector<16xi32>,
      %mul3A_71 = arith.constant 128 : i32
      %mul3A_72 = arith.muli %scan3A_29, %mul3A_71 : i32
      %add3A_73 = arith.constant 32 : i32
      %add3A_74 = arith.addi %mul3A_72, %add3A_73 : i32
      %get3A_75 = arith.index_cast %add3A_74 : i32 to index
      %get3A_76 = tpu.vector_load %arg6[%get3A_75] {strides = array<i32>} : memref<2560xi32, #tpu.memory_space<vmem>>, vector<16xi32>,
      %get3A_77 = vector.shape_cast %get3A_76 : vector<16xi32> to vector<16xi32>
      %mul3A_78 = arith.constant 128 : i32
      %mul3A_79 = vector.broadcast %mul3A_78 : i32 to vector<16xi32>
      %mul3A_80 = arith.muli %get3A_77, %mul3A_79 : vector<16xi32>
      %get3A_81 = arith.index_cast %add3A_74 : i32 to index
      %get3A_82 = tpu.vector_load %arg7[%get3A_81] {strides = array<i32>} : memref<2560xi32, #tpu.memory_space<vmem>>, vector<16xi32>,
      %get3A_83 = vector.shape_cast %get3A_82 : vector<16xi32> to vector<16xi32>
      %add3A_84 = arith.addi %mul3A_80, %get3A_83 : vector<16xi32>
      %sub3A_85 = arith.constant 1 : i32
      %sub3A_86 = vector.broadcast %sub3A_85 : i32 to vector<16xi32>
      %sub3A_87 = arith.subi %add3A_84, %sub3A_86 : vector<16xi32>
      %swap3A_88 = arith.index_cast %add3A_74 : i32 to index
      %swap3A_89 = tpu.vector_load %arg8[%swap3A_88] {strides = array<i32>} : memref<2560xi32, #tpu.memory_space<vmem>>, vector<16xi32>,
      %swap3A_90 = vector.shape_cast %swap3A_89 : vector<16xi32> to vector<16xi32>
      %swap3A_91 = vector.shape_cast %sub3A_87 : vector<16xi32> to vector<16xi32>
      tpu.vector_store %arg8[%swap3A_88], %swap3A_91 {strides = array<i32>} : memref<2560xi32, #tpu.memory_space<vmem>>, vector<16xi32>,
      %mul3A_92 = arith.constant 128 : i32
      %mul3A_93 = arith.muli %scan3A_29, %mul3A_92 : i32
      %add3A_94 = arith.constant 48 : i32
      %add3A_95 = arith.addi %mul3A_93, %add3A_94 : i32
      %get3A_96 = arith.index_cast %add3A_95 : i32 to index
      %get3A_97 = tpu.vector_load %arg6[%get3A_96] {strides = array<i32>} : memref<2560xi32, #tpu.memory_space<vmem>>, vector<16xi32>,
      %get3A_98 = vector.shape_cast %get3A_97 : vector<16xi32> to vector<16xi32>
      %mul3A_99 = arith.constant 128 : i32
      %mul3A_100 = vector.broadcast %mul3A_99 : i32 to vector<16xi32>
      %mul3A_101 = arith.muli %get3A_98, %mul3A_100 : vector<16xi32>
      %get3A_102 = arith.index_cast %add3A_95 : i32 to index
      %get3A_103 = tpu.vector_load %arg7[%get3A_102] {strides = array<i32>} : memref<2560xi32, #tpu.memory_space<vmem>>, vector<16xi32>,
      %get3A_104 = vector.shape_cast %get3A_103 : vector<16xi32> to vector<16xi32>
      %add3A_105 = arith.addi %mul3A_101, %get3A_104 : vector<16xi32>
      %sub3A_106 = arith.constant 1 : i32
      %sub3A_107 = vector.broadcast %sub3A_106 : i32 to vector<16xi32>
      %sub3A_108 = arith.subi %add3A_105, %sub3A_107 : vector<16xi32>
      %swap3A_109 = arith.index_cast %add3A_95 : i32 to index
      %swap3A_110 = tpu.vector_load %arg8[%swap3A_109] {strides = array<i32>} : memref<2560xi32, #tpu.memory_space<vmem>>, vector<16xi32>,
      %swap3A_111 = vector.shape_cast %swap3A_110 : vector<16xi32> to vector<16xi32>
      %swap3A_112 = vector.shape_cast %sub3A_108 : vector<16xi32> to vector<16xi32>
      tpu.vector_store %arg8[%swap3A_109], %swap3A_112 {strides = array<i32>} : memref<2560xi32, #tpu.memory_space<vmem>>, vector<16xi32>,
      %mul3A_113 = arith.constant 128 : i32
      %mul3A_114 = arith.muli %scan3A_29, %mul3A_113 : i32
      %add3A_115 = arith.constant 64 : i32
      %add3A_116 = arith.addi %mul3A_114, %add3A_115 : i32
      %get3A_117 = arith.index_cast %add3A_116 : i32 to index
      %get3A_118 = tpu.vector_load %arg6[%get3A_117] {strides = array<i32>} : memref<2560xi32, #tpu.memory_space<vmem>>, vector<16xi32>,
      %get3A_119 = vector.shape_cast %get3A_118 : vector<16xi32> to vector<16xi32>
      %mul3A_120 = arith.constant 128 : i32
      %mul3A_121 = vector.broadcast %mul3A_120 : i32 to vector<16xi32>
      %mul3A_122 = arith.muli %get3A_119, %mul3A_121 : vector<16xi32>
      %get3A_123 = arith.index_cast %add3A_116 : i32 to index
      %get3A_124 = tpu.vector_load %arg7[%get3A_123] {strides = array<i32>} : memref<2560xi32, #tpu.memory_space<vmem>>, vector<16xi32>,
      %get3A_125 = vector.shape_cast %get3A_124 : vector<16xi32> to vector<16xi32>
      %add3A_126 = arith.addi %mul3A_122, %get3A_125 : vector<16xi32>
      %sub3A_127 = arith.constant 1 : i32
      %sub3A_128 = vector.broadcast %sub3A_127 : i32 to vector<16xi32>
      %sub3A_129 = arith.subi %add3A_126, %sub3A_128 : vector<16xi32>
      %swap3A_130 = arith.index_cast %add3A_116 : i32 to index
      %swap3A_131 = tpu.vector_load %arg8[%swap3A_130] {strides = array<i32>} : memref<2560xi32, #tpu.memory_space<vmem>>, vector<16xi32>,
      %swap3A_132 = vector.shape_cast %swap3A_131 : vector<16xi32> to vector<16xi32>
      %swap3A_133 = vector.shape_cast %sub3A_129 : vector<16xi32> to vector<16xi32>
      tpu.vector_store %arg8[%swap3A_130], %swap3A_133 {strides = array<i32>} : memref<2560xi32, #tpu.memory_space<vmem>>, vector<16xi32>,
      %mul3A_134 = arith.constant 128 : i32
      %mul3A_135 = arith.muli %scan3A_29, %mul3A_134 : i32
      %add3A_136 = arith.constant 80 : i32
      %add3A_137 = arith.addi %mul3A_135, %add3A_136 : i32
      %get3A_138 = arith.index_cast %add3A_137 : i32 to index
      %get3A_139 = tpu.vector_load %arg6[%get3A_138] {strides = array<i32>} : memref<2560xi32, #tpu.memory_space<vmem>>, vector<16xi32>,
      %get3A_140 = vector.shape_cast %get3A_139 : vector<16xi32> to vector<16xi32>
      %mul3A_141 = arith.constant 128 : i32
      %mul3A_142 = vector.broadcast %mul3A_141 : i32 to vector<16xi32>
      %mul3A_143 = arith.muli %get3A_140, %mul3A_142 : vector<16xi32>
      %get3A_144 = arith.index_cast %add3A_137 : i32 to index
      %get3A_145 = tpu.vector_load %arg7[%get3A_144] {strides = array<i32>} : memref<2560xi32, #tpu.memory_space<vmem>>, vector<16xi32>,
      %get3A_146 = vector.shape_cast %get3A_145 : vector<16xi32> to vector<16xi32>
      %add3A_147 = arith.addi %mul3A_143, %get3A_146 : vector<16xi32>
      %sub3A_148 = arith.constant 1 : i32
      %sub3A_149 = vector.broadcast %sub3A_148 : i32 to vector<16xi32>
      %sub3A_150 = arith.subi %add3A_147, %sub3A_149 : vector<16xi32>
      %swap3A_151 = arith.index_cast %add3A_137 : i32 to index
      %swap3A_152 = tpu.vector_load %arg8[%swap3A_151] {strides = array<i32>} : memref<2560xi32, #tpu.memory_space<vmem>>, vector<16xi32>,
      %swap3A_153 = vector.shape_cast %swap3A_152 : vector<16xi32> to vector<16xi32>
      %swap3A_154 = vector.shape_cast %sub3A_150 : vector<16xi32> to vector<16xi32>
      tpu.vector_store %arg8[%swap3A_151], %swap3A_154 {strides = array<i32>} : memref<2560xi32, #tpu.memory_space<vmem>>, vector<16xi32>,
      %mul3A_155 = arith.constant 128 : i32
      %mul3A_156 = arith.muli %scan3A_29, %mul3A_155 : i32
      %add3A_157 = arith.constant 96 : i32
      %add3A_158 = arith.addi %mul3A_156, %add3A_157 : i32
      %get3A_159 = arith.index_cast %add3A_158 : i32 to index
      %get3A_160 = tpu.vector_load %arg6[%get3A_159] {strides = array<i32>} : memref<2560xi32, #tpu.memory_space<vmem>>, vector<16xi32>,
      %get3A_161 = vector.shape_cast %get3A_160 : vector<16xi32> to vector<16xi32>
      %mul3A_162 = arith.constant 128 : i32
      %mul3A_163 = vector.broadcast %mul3A_162 : i32 to vector<16xi32>
      %mul3A_164 = arith.muli %get3A_161, %mul3A_163 : vector<16xi32>
      %get3A_165 = arith.index_cast %add3A_158 : i32 to index
      %get3A_166 = tpu.vector_load %arg7[%get3A_165] {strides = array<i32>} : memref<2560xi32, #tpu.memory_space<vmem>>, vector<16xi32>,
      %get3A_167 = vector.shape_cast %get3A_166 : vector<16xi32> to vector<16xi32>
      %add3A_168 = arith.addi %mul3A_164, %get3A_167 : vector<16xi32>
      %sub3A_169 = arith.constant 1 : i32
      %sub3A_170 = vector.broadcast %sub3A_169 : i32 to vector<16xi32>
      %sub3A_171 = arith.subi %add3A_168, %sub3A_170 : vector<16xi32>
      %swap3A_172 = arith.index_cast %add3A_158 : i32 to index
      %swap3A_173 = tpu.vector_load %arg8[%swap3A_172] {strides = array<i32>} : memref<2560xi32, #tpu.memory_space<vmem>>, vector<16xi32>,
      %swap3A_174 = vector.shape_cast %swap3A_173 : vector<16xi32> to vector<16xi32>
      %swap3A_175 = vector.shape_cast %sub3A_171 : vector<16xi32> to vector<16xi32>
      tpu.vector_store %arg8[%swap3A_172], %swap3A_175 {strides = array<i32>} : memref<2560xi32, #tpu.memory_space<vmem>>, vector<16xi32>,
      %mul3A_176 = arith.constant 128 : i32
      %mul3A_177 = arith.muli %scan3A_29, %mul3A_176 : i32
      %add3A_178 = arith.constant 112 : i32
      %add3A_179 = arith.addi %mul3A_177, %add3A_178 : i32
      %get3A_180 = arith.index_cast %add3A_179 : i32 to index
      %get3A_181 = tpu.vector_load %arg6[%get3A_180] {strides = array<i32>} : memref<2560xi32, #tpu.memory_space<vmem>>, vector<16xi32>,
      %get3A_182 = vector.shape_cast %get3A_181 : vector<16xi32> to vector<16xi32>
      %mul3A_183 = arith.constant 128 : i32
      %mul3A_184 = vector.broadcast %mul3A_183 : i32 to vector<16xi32>
      %mul3A_185 = arith.muli %get3A_182, %mul3A_184 : vector<16xi32>
      %get3A_186 = arith.index_cast %add3A_179 : i32 to index
      %get3A_187 = tpu.vector_load %arg7[%get3A_186] {strides = array<i32>} : memref<2560xi32, #tpu.memory_space<vmem>>, vector<16xi32>,
      %get3A_188 = vector.shape_cast %get3A_187 : vector<16xi32> to vector<16xi32>
      %add3A_189 = arith.addi %mul3A_185, %get3A_188 : vector<16xi32>
      %sub3A_190 = arith.constant 1 : i32
      %sub3A_191 = vector.broadcast %sub3A_190 : i32 to vector<16xi32>
      %sub3A_192 = arith.subi %add3A_189, %sub3A_191 : vector<16xi32>
      %swap3A_193 = arith.index_cast %add3A_179 : i32 to index
      %swap3A_194 = tpu.vector_load %arg8[%swap3A_193] {strides = array<i32>} : memref<2560xi32, #tpu.memory_space<vmem>>, vector<16xi32>,
      %swap3A_195 = vector.shape_cast %swap3A_194 : vector<16xi32> to vector<16xi32>
      %swap3A_196 = vector.shape_cast %sub3A_192 : vector<16xi32> to vector<16xi32>
      tpu.vector_store %arg8[%swap3A_193], %swap3A_196 {strides = array<i32>} : memref<2560xi32, #tpu.memory_space<vmem>>, vector<16xi32>,
      %mul3A_197 = arith.constant 128 : i32
      %mul3A_198 = arith.muli %scan3A_29, %mul3A_197 : i32
      %dma_start3A_199 = tpu.memref_slice %arg9[%mul3A_198] : memref<2560xf32, #tpu.memory_space<vmem>> -> memref<128xf32, #tpu.memory_space<vmem>>
      %dma_start3A_200 = tpu.memref_slice %arg8[%mul3A_198] : memref<2560xi32, #tpu.memory_space<vmem>> -> memref<128xi32, #tpu.memory_space<vmem>>
      %dma_start3A_201 = arith.constant 0 : i32
      %dma_start3A_202 = tpu.memref_slice %arg2[%dma_start3A_201] : memref<524288xf32, #tpu.memory_space<hbm>> -> memref<524288xf32, #tpu.memory_space<hbm>>
      tpu.enqueue_indirect_dma source(%dma_start3A_202 : memref<524288xf32, #tpu.memory_space<hbm>>) target(%dma_start3A_199 : memref<128xf32, #tpu.memory_space<vmem>>) offsets(%dma_start3A_200 : memref<128xi32, #tpu.memory_space<vmem>>) semaphore(%arg12 : memref<!tpu.dma_semaphore, #tpu.memory_space<semaphore_mem>>)
    }
    %scan3A_13 = arith.constant 20 : i32
    %dma_wait3A_14 = arith.constant 0 : i32
    %dma_wait3A_15 = tpu.memref_slice %arg2[%dma_wait3A_14] : memref<524288xf32, #tpu.memory_space<hbm>> -> memref<2560xf32, #tpu.memory_space<hbm>>
    %dma_wait3A_16 = arith.constant 0 : i32
    %dma_wait3A_17 = tpu.memref_slice %arg2[%dma_wait3A_16] : memref<524288xf32, #tpu.memory_space<hbm>> -> memref<2560xf32, #tpu.memory_space<hbm>>
    tpu.wait_dma2 semaphore(%arg12 : memref<!tpu.dma_semaphore, #tpu.memory_space<semaphore_mem>>) src(%dma_wait3A_17 : memref<2560xf32, #tpu.memory_space<hbm>>) dst(%arg9 : memref<2560xf32, #tpu.memory_space<vmem>>)
    %sub3A = arith.constant 81910 : i32
    %sub3A_18 = arith.subi %sub3A, %mul3A_2 : i32
    %broadcast_in_dim3A = arith.constant 0.000000e+00 : f32
    %broadcast_in_dim3A_19 = vector.broadcast %broadcast_in_dim3A : f32 to vector<16xf32>
    %scan3A_20 = arith.constant 0 : i32
    %scan3A_21 = arith.constant 20 : i32
    %scan3A_22 = arith.addi %scan3A_20, %scan3A_21 : i32
    %scan3A_23 = arith.constant 1 : i32
    %scan3A_24 = scf.for %scan3A_29 = %scan3A_20 to %scan3A_22 step %scan3A_23 iter_args(%scan3A_30 = %broadcast_in_dim3A_19) -> (vector<16xf32>)  : i32 {
      %mul3A_31 = arith.constant 128 : i32
      %mul3A_32 = arith.muli %scan3A_29, %mul3A_31 : i32
      %add3A_33 = arith.constant 0 : i32
      %add3A_34 = arith.addi %mul3A_32, %add3A_33 : i32
      %iota3A = tpu.iota {dimensions = array<i32: 0>} : vector<16xi32>
      %add3A_35 = vector.broadcast %add3A_34 : i32 to vector<16xi32>
      %add3A_36 = arith.addi %iota3A, %add3A_35 : vector<16xi32>
      %lt3A = vector.broadcast %sub3A_18 : i32 to vector<16xi32>
      %lt3A_37 = arith.cmpi slt, %add3A_36, %lt3A : vector<16xi32>
      %get3A = arith.index_cast %add3A_34 : i32 to index
      %get3A_38 = tpu.vector_load %arg9[%get3A] {strides = array<i32>} : memref<2560xf32, #tpu.memory_space<vmem>>, vector<16xf32>,
      %get3A_39 = vector.shape_cast %get3A_38 : vector<16xf32> to vector<16xf32>
      %jit3A = arith.constant 0.000000e+00 : f32
      %broadcast_in_dim3A_40 = vector.broadcast %jit3A : f32 to vector<16xf32>
      %select_n3A = arith.select %lt3A_37, %get3A_39, %broadcast_in_dim3A_40 : vector<16xi1>, vector<16xf32>
      %add3A_41 = arith.addf %scan3A_30, %select_n3A : vector<16xf32>
      %mul3A_42 = arith.constant 128 : i32
      %mul3A_43 = arith.muli %scan3A_29, %mul3A_42 : i32
      %add3A_44 = arith.constant 16 : i32
      %add3A_45 = arith.addi %mul3A_43, %add3A_44 : i32
      %iota3A_46 = tpu.iota {dimensions = array<i32: 0>} : vector<16xi32>
      %add3A_47 = vector.broadcast %add3A_45 : i32 to vector<16xi32>
      %add3A_48 = arith.addi %iota3A_46, %add3A_47 : vector<16xi32>
      %lt3A_49 = vector.broadcast %sub3A_18 : i32 to vector<16xi32>
      %lt3A_50 = arith.cmpi slt, %add3A_48, %lt3A_49 : vector<16xi32>
      %get3A_51 = arith.index_cast %add3A_45 : i32 to index
      %get3A_52 = tpu.vector_load %arg9[%get3A_51] {strides = array<i32>} : memref<2560xf32, #tpu.memory_space<vmem>>, vector<16xf32>,
      %get3A_53 = vector.shape_cast %get3A_52 : vector<16xf32> to vector<16xf32>
      %jit3A_54 = arith.constant 0.000000e+00 : f32
      %broadcast_in_dim3A_55 = vector.broadcast %jit3A_54 : f32 to vector<16xf32>
      %select_n3A_56 = arith.select %lt3A_50, %get3A_53, %broadcast_in_dim3A_55 : vector<16xi1>, vector<16xf32>
      %add3A_57 = arith.addf %add3A_41, %select_n3A_56 : vector<16xf32>
      %mul3A_58 = arith.constant 128 : i32
      %mul3A_59 = arith.muli %scan3A_29, %mul3A_58 : i32
      %add3A_60 = arith.constant 32 : i32
      %add3A_61 = arith.addi %mul3A_59, %add3A_60 : i32
      %iota3A_62 = tpu.iota {dimensions = array<i32: 0>} : vector<16xi32>
      %add3A_63 = vector.broadcast %add3A_61 : i32 to vector<16xi32>
      %add3A_64 = arith.addi %iota3A_62, %add3A_63 : vector<16xi32>
      %lt3A_65 = vector.broadcast %sub3A_18 : i32 to vector<16xi32>
      %lt3A_66 = arith.cmpi slt, %add3A_64, %lt3A_65 : vector<16xi32>
      %get3A_67 = arith.index_cast %add3A_61 : i32 to index
      %get3A_68 = tpu.vector_load %arg9[%get3A_67] {strides = array<i32>} : memref<2560xf32, #tpu.memory_space<vmem>>, vector<16xf32>,
      %get3A_69 = vector.shape_cast %get3A_68 : vector<16xf32> to vector<16xf32>
      %jit3A_70 = arith.constant 0.000000e+00 : f32
      %broadcast_in_dim3A_71 = vector.broadcast %jit3A_70 : f32 to vector<16xf32>
      %select_n3A_72 = arith.select %lt3A_66, %get3A_69, %broadcast_in_dim3A_71 : vector<16xi1>, vector<16xf32>
      %add3A_73 = arith.addf %add3A_57, %select_n3A_72 : vector<16xf32>
      %mul3A_74 = arith.constant 128 : i32
      %mul3A_75 = arith.muli %scan3A_29, %mul3A_74 : i32
      %add3A_76 = arith.constant 48 : i32
      %add3A_77 = arith.addi %mul3A_75, %add3A_76 : i32
      %iota3A_78 = tpu.iota {dimensions = array<i32: 0>} : vector<16xi32>
      %add3A_79 = vector.broadcast %add3A_77 : i32 to vector<16xi32>
      %add3A_80 = arith.addi %iota3A_78, %add3A_79 : vector<16xi32>
      %lt3A_81 = vector.broadcast %sub3A_18 : i32 to vector<16xi32>
      %lt3A_82 = arith.cmpi slt, %add3A_80, %lt3A_81 : vector<16xi32>
      %get3A_83 = arith.index_cast %add3A_77 : i32 to index
      %get3A_84 = tpu.vector_load %arg9[%get3A_83] {strides = array<i32>} : memref<2560xf32, #tpu.memory_space<vmem>>, vector<16xf32>,
      %get3A_85 = vector.shape_cast %get3A_84 : vector<16xf32> to vector<16xf32>
      %jit3A_86 = arith.constant 0.000000e+00 : f32
      %broadcast_in_dim3A_87 = vector.broadcast %jit3A_86 : f32 to vector<16xf32>
      %select_n3A_88 = arith.select %lt3A_82, %get3A_85, %broadcast_in_dim3A_87 : vector<16xi1>, vector<16xf32>
      %add3A_89 = arith.addf %add3A_73, %select_n3A_88 : vector<16xf32>
      %mul3A_90 = arith.constant 128 : i32
      %mul3A_91 = arith.muli %scan3A_29, %mul3A_90 : i32
      %add3A_92 = arith.constant 64 : i32
      %add3A_93 = arith.addi %mul3A_91, %add3A_92 : i32
      %iota3A_94 = tpu.iota {dimensions = array<i32: 0>} : vector<16xi32>
      %add3A_95 = vector.broadcast %add3A_93 : i32 to vector<16xi32>
      %add3A_96 = arith.addi %iota3A_94, %add3A_95 : vector<16xi32>
      %lt3A_97 = vector.broadcast %sub3A_18 : i32 to vector<16xi32>
      %lt3A_98 = arith.cmpi slt, %add3A_96, %lt3A_97 : vector<16xi32>
      %get3A_99 = arith.index_cast %add3A_93 : i32 to index
      %get3A_100 = tpu.vector_load %arg9[%get3A_99] {strides = array<i32>} : memref<2560xf32, #tpu.memory_space<vmem>>, vector<16xf32>,
      %get3A_101 = vector.shape_cast %get3A_100 : vector<16xf32> to vector<16xf32>
      %jit3A_102 = arith.constant 0.000000e+00 : f32
      %broadcast_in_dim3A_103 = vector.broadcast %jit3A_102 : f32 to vector<16xf32>
      %select_n3A_104 = arith.select %lt3A_98, %get3A_101, %broadcast_in_dim3A_103 : vector<16xi1>, vector<16xf32>
      %add3A_105 = arith.addf %add3A_89, %select_n3A_104 : vector<16xf32>
      %mul3A_106 = arith.constant 128 : i32
      %mul3A_107 = arith.muli %scan3A_29, %mul3A_106 : i32
      %add3A_108 = arith.constant 80 : i32
      %add3A_109 = arith.addi %mul3A_107, %add3A_108 : i32
      %iota3A_110 = tpu.iota {dimensions = array<i32: 0>} : vector<16xi32>
      %add3A_111 = vector.broadcast %add3A_109 : i32 to vector<16xi32>
      %add3A_112 = arith.addi %iota3A_110, %add3A_111 : vector<16xi32>
      %lt3A_113 = vector.broadcast %sub3A_18 : i32 to vector<16xi32>
      %lt3A_114 = arith.cmpi slt, %add3A_112, %lt3A_113 : vector<16xi32>
      %get3A_115 = arith.index_cast %add3A_109 : i32 to index
      %get3A_116 = tpu.vector_load %arg9[%get3A_115] {strides = array<i32>} : memref<2560xf32, #tpu.memory_space<vmem>>, vector<16xf32>,
      %get3A_117 = vector.shape_cast %get3A_116 : vector<16xf32> to vector<16xf32>
      %jit3A_118 = arith.constant 0.000000e+00 : f32
      %broadcast_in_dim3A_119 = vector.broadcast %jit3A_118 : f32 to vector<16xf32>
      %select_n3A_120 = arith.select %lt3A_114, %get3A_117, %broadcast_in_dim3A_119 : vector<16xi1>, vector<16xf32>
      %add3A_121 = arith.addf %add3A_105, %select_n3A_120 : vector<16xf32>
      %mul3A_122 = arith.constant 128 : i32
      %mul3A_123 = arith.muli %scan3A_29, %mul3A_122 : i32
      %add3A_124 = arith.constant 96 : i32
      %add3A_125 = arith.addi %mul3A_123, %add3A_124 : i32
      %iota3A_126 = tpu.iota {dimensions = array<i32: 0>} : vector<16xi32>
      %add3A_127 = vector.broadcast %add3A_125 : i32 to vector<16xi32>
      %add3A_128 = arith.addi %iota3A_126, %add3A_127 : vector<16xi32>
      %lt3A_129 = vector.broadcast %sub3A_18 : i32 to vector<16xi32>
      %lt3A_130 = arith.cmpi slt, %add3A_128, %lt3A_129 : vector<16xi32>
      %get3A_131 = arith.index_cast %add3A_125 : i32 to index
      %get3A_132 = tpu.vector_load %arg9[%get3A_131] {strides = array<i32>} : memref<2560xf32, #tpu.memory_space<vmem>>, vector<16xf32>,
      %get3A_133 = vector.shape_cast %get3A_132 : vector<16xf32> to vector<16xf32>
      %jit3A_134 = arith.constant 0.000000e+00 : f32
      %broadcast_in_dim3A_135 = vector.broadcast %jit3A_134 : f32 to vector<16xf32>
      %select_n3A_136 = arith.select %lt3A_130, %get3A_133, %broadcast_in_dim3A_135 : vector<16xi1>, vector<16xf32>
      %add3A_137 = arith.addf %add3A_121, %select_n3A_136 : vector<16xf32>
      %mul3A_138 = arith.constant 128 : i32
      %mul3A_139 = arith.muli %scan3A_29, %mul3A_138 : i32
      %add3A_140 = arith.constant 112 : i32
      %add3A_141 = arith.addi %mul3A_139, %add3A_140 : i32
      %iota3A_142 = tpu.iota {dimensions = array<i32: 0>} : vector<16xi32>
      %add3A_143 = vector.broadcast %add3A_141 : i32 to vector<16xi32>
      %add3A_144 = arith.addi %iota3A_142, %add3A_143 : vector<16xi32>
      %lt3A_145 = vector.broadcast %sub3A_18 : i32 to vector<16xi32>
      %lt3A_146 = arith.cmpi slt, %add3A_144, %lt3A_145 : vector<16xi32>
      %get3A_147 = arith.index_cast %add3A_141 : i32 to index
      %get3A_148 = tpu.vector_load %arg9[%get3A_147] {strides = array<i32>} : memref<2560xf32, #tpu.memory_space<vmem>>, vector<16xf32>,
      %get3A_149 = vector.shape_cast %get3A_148 : vector<16xf32> to vector<16xf32>
      %jit3A_150 = arith.constant 0.000000e+00 : f32
      %broadcast_in_dim3A_151 = vector.broadcast %jit3A_150 : f32 to vector<16xf32>
      %select_n3A_152 = arith.select %lt3A_146, %get3A_149, %broadcast_in_dim3A_151 : vector<16xi1>, vector<16xf32>
      %add3A_153 = arith.addf %add3A_137, %select_n3A_152 : vector<16xf32>
      scf.yield %add3A_153 : vector<16xf32>
    }
    %scan3A_25 = arith.constant 20 : i32
    %swap3A = arith.constant 0 : index
    %swap3A_26 = tpu.vector_load %arg10[%swap3A] {strides = array<i32>} : memref<16xf32, #tpu.memory_space<vmem>>, vector<16xf32>,
    %swap3A_27 = vector.shape_cast %swap3A_26 : vector<16xf32> to vector<16xf32>
    %swap3A_28 = vector.shape_cast %scan3A_24 : vector<16xf32> to vector<16xf32>
    tpu.vector_store %arg10[%swap3A], %swap3A_28 {strides = array<i32>} : memref<16xf32, #tpu.memory_space<vmem>>, vector<16xf32>,
    "tpu.region"() ({
      %run_scoped3A = tpu.sem_alloc : memref<!tpu.dma_semaphore, #tpu.memory_space<semaphore_mem>>
      %dma_start3A_29 = arith.constant 0 : i32
      %dma_start3A_30 = tpu.memref_slice %arg5[%add3A, %dma_start3A_29] : memref<32x16xf32, #tpu.memory_space<hbm>> -> memref<1x16xf32, #tpu.memory_space<hbm>>
      %dma_start3A_31 = tpu.memref_squeeze %dma_start3A_30 : memref<1x16xf32, #tpu.memory_space<hbm>> -> memref<16xf32, #tpu.memory_space<hbm>>
      %dma_start3A_32 = arith.constant 0 : i32
      %dma_start3A_33 = tpu.memref_slice %arg5[%add3A, %dma_start3A_32] : memref<32x16xf32, #tpu.memory_space<hbm>> -> memref<1x16xf32, #tpu.memory_space<hbm>>
      %dma_start3A_34 = tpu.memref_squeeze %dma_start3A_33 : memref<1x16xf32, #tpu.memory_space<hbm>> -> memref<16xf32, #tpu.memory_space<hbm>>
      tpu.enqueue_dma source(%arg10 : memref<16xf32, #tpu.memory_space<vmem>>) target(%dma_start3A_34 : memref<16xf32, #tpu.memory_space<hbm>>) target_semaphore(%run_scoped3A : memref<!tpu.dma_semaphore, #tpu.memory_space<semaphore_mem>>)
      %dma_wait3A_35 = arith.constant 0 : i32
      %dma_wait3A_36 = tpu.memref_slice %arg5[%add3A, %dma_wait3A_35] : memref<32x16xf32, #tpu.memory_space<hbm>> -> memref<1x16xf32, #tpu.memory_space<hbm>>
      %dma_wait3A_37 = tpu.memref_squeeze %dma_wait3A_36 : memref<1x16xf32, #tpu.memory_space<hbm>> -> memref<16xf32, #tpu.memory_space<hbm>>
      %dma_wait3A_38 = arith.constant 0 : i32
      %dma_wait3A_39 = tpu.memref_slice %arg5[%add3A, %dma_wait3A_38] : memref<32x16xf32, #tpu.memory_space<hbm>> -> memref<1x16xf32, #tpu.memory_space<hbm>>
      %dma_wait3A_40 = tpu.memref_squeeze %dma_wait3A_39 : memref<1x16xf32, #tpu.memory_space<hbm>> -> memref<16xf32, #tpu.memory_space<hbm>>
      tpu.wait_dma2 semaphore(%run_scoped3A : memref<!tpu.dma_semaphore, #tpu.memory_space<semaphore_mem>>) src(%arg10 : memref<16xf32, #tpu.memory_space<vmem>>) dst(%dma_wait3A_40 : memref<16xf32, #tpu.memory_space<hbm>>)
      tpu.yield
    }) : () -> ()
    return
  }
}

module attributes {stable_mosaic.version = 14 : i64} {
  func.func @_tc_body(%arg0: memref<4096x256xf32, #tpu.memory_space<vmem>>, %arg1: memref<4096x256xf32, #tpu.memory_space<vmem>>, %arg2: memref<4096x256xf32, #tpu.memory_space<vmem>>, %arg3: memref<4096x1xi32, #tpu.memory_space<vmem>>, %arg4: memref<4096x6xf32, #tpu.memory_space<vmem>>, %arg5: memref<256x256xf32, #tpu.memory_space<vmem>>, %arg6: memref<256x256xf32, #tpu.memory_space<vmem>>, %arg7: memref<256x6xf32, #tpu.memory_space<vmem>>, %arg8: memref<256x100xf32, #tpu.memory_space<vmem>>, %arg9: memref<256x41xf32, #tpu.memory_space<vmem>>, %arg10: memref<256x256xf32, #tpu.memory_space<vmem>>, %arg11: memref<256x256xf32, #tpu.memory_space<vmem>>, %arg12: memref<11x256xf32, #tpu.memory_space<vmem>>, %arg13: memref<1x1xf32, #tpu.memory_space<vmem>>, %arg14: memref<4096x128xf32, #tpu.memory_space<vmem>>) attributes {dimension_semantics = [], scalar_prefetch = 0 : i64, scratch_operands = 0 : i64, tpu.core_type = #tpu.core_type<tc>} {
    %get3A = arith.constant 0 : index
    %get3A_0 = arith.constant 0 : index
    %get3A_1 = vector.load %arg12[%get3A, %get3A_0] : memref<11x256xf32, #tpu.memory_space<vmem>>, vector<1x256xf32>
    %get3A_2 = arith.constant 1 : index
    %get3A_3 = arith.constant 0 : index
    %get3A_4 = vector.load %arg12[%get3A_2, %get3A_3] : memref<11x256xf32, #tpu.memory_space<vmem>>, vector<1x256xf32>
    %get3A_5 = arith.constant 2 : index
    %get3A_6 = arith.constant 0 : index
    %get3A_7 = vector.load %arg12[%get3A_5, %get3A_6] : memref<11x256xf32, #tpu.memory_space<vmem>>, vector<1x256xf32>
    %get3A_8 = arith.constant 3 : index
    %get3A_9 = arith.constant 0 : index
    %get3A_10 = vector.load %arg12[%get3A_8, %get3A_9] : memref<11x256xf32, #tpu.memory_space<vmem>>, vector<1x256xf32>
    %get3A_11 = arith.constant 4 : index
    %get3A_12 = arith.constant 0 : index
    %get3A_13 = vector.load %arg12[%get3A_11, %get3A_12] : memref<11x256xf32, #tpu.memory_space<vmem>>, vector<1x256xf32>
    %get3A_14 = arith.constant 5 : index
    %get3A_15 = arith.constant 0 : index
    %get3A_16 = vector.load %arg12[%get3A_14, %get3A_15] : memref<11x256xf32, #tpu.memory_space<vmem>>, vector<1x256xf32>
    %get3A_17 = arith.constant 6 : index
    %get3A_18 = arith.constant 0 : index
    %get3A_19 = vector.load %arg12[%get3A_17, %get3A_18] : memref<11x256xf32, #tpu.memory_space<vmem>>, vector<1x6xf32>
    %get3A_20 = arith.constant 7 : index
    %get3A_21 = arith.constant 0 : index
    %get3A_22 = vector.load %arg12[%get3A_20, %get3A_21] : memref<11x256xf32, #tpu.memory_space<vmem>>, vector<1x100xf32>
    %get3A_23 = arith.constant 8 : index
    %get3A_24 = arith.constant 0 : index
    %get3A_25 = vector.load %arg12[%get3A_23, %get3A_24] : memref<11x256xf32, #tpu.memory_space<vmem>>, vector<1x41xf32>
    %get3A_26 = arith.constant 9 : index
    %get3A_27 = arith.constant 0 : index
    %get3A_28 = vector.load %arg12[%get3A_26, %get3A_27] : memref<11x256xf32, #tpu.memory_space<vmem>>, vector<1x6xf32>
    %get3A_29 = arith.constant 10 : index
    %get3A_30 = arith.constant 0 : index
    %get3A_31 = vector.load %arg12[%get3A_29, %get3A_30] : memref<11x256xf32, #tpu.memory_space<vmem>>, vector<1x6xf32>
    %get3A_32 = arith.constant 0 : index
    %get3A_33 = arith.constant 0 : index
    %get3A_34 = vector.load %arg1[%get3A_32, %get3A_33] : memref<4096x256xf32, #tpu.memory_space<vmem>>, vector<4096x256xf32>
    %get3A_35 = arith.constant 0 : index
    %get3A_36 = arith.constant 0 : index
    %get3A_37 = vector.load %arg5[%get3A_35, %get3A_36] : memref<256x256xf32, #tpu.memory_space<vmem>>, vector<256x256xf32>
    %dot_general3A = arith.constant dense<0.000000e+00> : vector<4096x256xf32>
    %dot_general3A_38 = tpu.matmul %get3A_34, %get3A_37, %dot_general3A {dimension_numbers = #tpu.dot_dimension_numbers<[1], [0], [0], [1], [0, 0, 1, 1], [], []>, transpose_lhs_hint = false} : vector<4096x256xf32>, vector<256x256xf32>, vector<4096x256xf32> -> vector<4096x256xf32>
    %add3A = vector.broadcast %get3A_1 : vector<1x256xf32> to vector<4096x256xf32>
    %add3A_39 = arith.addf %dot_general3A_38, %add3A : vector<4096x256xf32>
    %get3A_40 = arith.constant 0 : index
    %get3A_41 = arith.constant 0 : index
    %get3A_42 = vector.load %arg6[%get3A_40, %get3A_41] : memref<256x256xf32, #tpu.memory_space<vmem>>, vector<256x256xf32>
    %dot_general3A_43 = arith.constant dense<0.000000e+00> : vector<4096x256xf32>
    %dot_general3A_44 = tpu.matmul %get3A_34, %get3A_42, %dot_general3A_43 {dimension_numbers = #tpu.dot_dimension_numbers<[1], [0], [0], [1], [0, 0, 1, 1], [], []>, transpose_lhs_hint = false} : vector<4096x256xf32>, vector<256x256xf32>, vector<4096x256xf32> -> vector<4096x256xf32>
    %add3A_45 = vector.broadcast %get3A_4 : vector<1x256xf32> to vector<4096x256xf32>
    %add3A_46 = arith.addf %dot_general3A_44, %add3A_45 : vector<4096x256xf32>
    %mul3A = arith.constant 5.000000e-01 : f32
    %mul3A_47 = vector.broadcast %mul3A : f32 to vector<4096x256xf32>
    %mul3A_48 = arith.mulf %mul3A_47, %add3A_46 : vector<4096x256xf32>
    %exp3A = math.exp %mul3A_48 : vector<4096x256xf32>
    %get3A_49 = arith.constant 0 : index
    %get3A_50 = arith.constant 0 : index
    %get3A_51 = vector.load %arg2[%get3A_49, %get3A_50] : memref<4096x256xf32, #tpu.memory_space<vmem>>, vector<4096x256xf32>
    %mul3A_52 = arith.mulf %get3A_51, %exp3A : vector<4096x256xf32>
    %add3A_53 = arith.addf %mul3A_52, %add3A_39 : vector<4096x256xf32>
    %add3A_54 = arith.constant 1.000000e+00 : f32
    %add3A_55 = vector.broadcast %add3A_54 : f32 to vector<4096x256xf32>
    %add3A_56 = arith.addf %add3A_55, %add3A_46 : vector<4096x256xf32>
    %mul3A_57 = arith.mulf %add3A_39, %add3A_39 : vector<4096x256xf32>
    %sub3A = arith.subf %add3A_56, %mul3A_57 : vector<4096x256xf32>
    %mul3A_58 = arith.mulf %exp3A, %exp3A : vector<4096x256xf32>
    %sub3A_59 = arith.subf %sub3A, %mul3A_58 : vector<4096x256xf32>
    %reduce_sum3A = arith.constant dense<0.000000e+00> : vector<4096xf32>
    %reduce_sum3A_60 = vector.multi_reduction <add>, %sub3A_59, %reduce_sum3A [1] : vector<4096x256xf32> to vector<4096xf32>
    %broadcast_in_dim3A = vector.shape_cast %reduce_sum3A_60 : vector<4096xf32> to vector<4096x1xf32>
    %mul3A_61 = arith.constant -5.000000e-01 : f32
    %mul3A_62 = vector.broadcast %mul3A_61 : f32 to vector<4096x1xf32>
    %mul3A_63 = arith.mulf %mul3A_62, %broadcast_in_dim3A : vector<4096x1xf32>
    %reduce_sum3A_64 = vector.shape_cast %mul3A_63 : vector<4096x1xf32> to vector<1x4096x1xf32>
    %reduce_sum3A_65 = arith.constant dense<0.000000e+00> : vector<1xf32>
    %reduce_sum3A_66 = vector.multi_reduction <add>, %reduce_sum3A_64, %reduce_sum3A_65 [1, 2] : vector<1x4096x1xf32> to vector<1xf32>
    %reduce_sum3A_67 = vector.shape_cast %reduce_sum3A_66 : vector<1xf32> to vector<1x1x1xf32>
    %reduce_sum3A_68 = vector.extract %reduce_sum3A_67[0, 0, 0] : f32 from vector<1x1x1xf32>
    %div3A = arith.constant 4.096000e+03 : f32
    %div3A_69 = arith.divf %reduce_sum3A_68, %div3A : f32
    %get3A_70 = arith.constant 0 : index
    %get3A_71 = arith.constant 0 : index
    %get3A_72 = vector.load %arg0[%get3A_70, %get3A_71] : memref<4096x256xf32, #tpu.memory_space<vmem>>, vector<4096x256xf32>
    %get3A_73 = arith.constant 0 : index
    %get3A_74 = arith.constant 0 : index
    %get3A_75 = vector.load %arg10[%get3A_73, %get3A_74] : memref<256x256xf32, #tpu.memory_space<vmem>>, vector<256x256xf32>
    %dot_general3A_76 = arith.constant dense<0.000000e+00> : vector<4096x256xf32>
    %dot_general3A_77 = tpu.matmul %get3A_72, %get3A_75, %dot_general3A_76 {dimension_numbers = #tpu.dot_dimension_numbers<[1], [0], [0], [1], [0, 0, 1, 1], [], []>, transpose_lhs_hint = false} : vector<4096x256xf32>, vector<256x256xf32>, vector<4096x256xf32> -> vector<4096x256xf32>
    %add3A_78 = vector.broadcast %get3A_7 : vector<1x256xf32> to vector<4096x256xf32>
    %add3A_79 = arith.addf %dot_general3A_77, %add3A_78 : vector<4096x256xf32>
    %reduce_sum3A_80 = arith.constant dense<0.000000e+00> : vector<256xf32>
    %reduce_sum3A_81 = vector.multi_reduction <add>, %add3A_79, %reduce_sum3A_80 [0] : vector<4096x256xf32> to vector<256xf32>
    %broadcast_in_dim3A_82 = vector.shape_cast %reduce_sum3A_81 : vector<256xf32> to vector<1x256xf32>
    %div3A_83 = arith.constant 4.096000e+03 : f32
    %div3A_84 = vector.broadcast %div3A_83 : f32 to vector<1x256xf32>
    %div3A_85 = arith.divf %broadcast_in_dim3A_82, %div3A_84 : vector<1x256xf32>
    %sub3A_86 = vector.broadcast %div3A_85 : vector<1x256xf32> to vector<4096x256xf32>
    %sub3A_87 = arith.subf %add3A_79, %sub3A_86 : vector<4096x256xf32>
    %sub3A_88 = vector.broadcast %div3A_85 : vector<1x256xf32> to vector<4096x256xf32>
    %sub3A_89 = arith.subf %add3A_79, %sub3A_88 : vector<4096x256xf32>
    %mul3A_90 = arith.mulf %sub3A_87, %sub3A_89 : vector<4096x256xf32>
    %reduce_sum3A_91 = arith.constant dense<0.000000e+00> : vector<256xf32>
    %reduce_sum3A_92 = vector.multi_reduction <add>, %mul3A_90, %reduce_sum3A_91 [0] : vector<4096x256xf32> to vector<256xf32>
    %broadcast_in_dim3A_93 = vector.shape_cast %reduce_sum3A_92 : vector<256xf32> to vector<1x256xf32>
    %div3A_94 = arith.constant 4.096000e+03 : f32
    %div3A_95 = vector.broadcast %div3A_94 : f32 to vector<1x256xf32>
    %div3A_96 = arith.divf %broadcast_in_dim3A_93, %div3A_95 : vector<1x256xf32>
    %sub3A_97 = vector.broadcast %div3A_85 : vector<1x256xf32> to vector<4096x256xf32>
    %sub3A_98 = arith.subf %add3A_79, %sub3A_97 : vector<4096x256xf32>
    %add3A_99 = arith.constant 9.99999974E-6 : f32
    %add3A_100 = vector.broadcast %add3A_99 : f32 to vector<1x256xf32>
    %add3A_101 = arith.addf %div3A_96, %add3A_100 : vector<1x256xf32>
    %sqrt3A = math.sqrt %add3A_101 : vector<1x256xf32>
    %div3A_102 = vector.broadcast %sqrt3A : vector<1x256xf32> to vector<4096x256xf32>
    %div3A_103 = arith.divf %sub3A_98, %div3A_102 : vector<4096x256xf32>
    %mul3A_104 = vector.broadcast %get3A_10 : vector<1x256xf32> to vector<4096x256xf32>
    %mul3A_105 = arith.mulf %div3A_103, %mul3A_104 : vector<4096x256xf32>
    %add3A_106 = vector.broadcast %get3A_13 : vector<1x256xf32> to vector<4096x256xf32>
    %add3A_107 = arith.addf %mul3A_105, %add3A_106 : vector<4096x256xf32>
    %max3A = arith.constant 0.000000e+00 : f32
    %max3A_108 = vector.broadcast %max3A : f32 to vector<4096x256xf32>
    %max3A_109 = arith.maximumf %add3A_107, %max3A_108 : vector<4096x256xf32>
    %get3A_110 = arith.constant 0 : index
    %get3A_111 = arith.constant 0 : index
    %get3A_112 = vector.load %arg11[%get3A_110, %get3A_111] : memref<256x256xf32, #tpu.memory_space<vmem>>, vector<256x256xf32>
    %dot_general3A_113 = arith.constant dense<0.000000e+00> : vector<4096x256xf32>
    %dot_general3A_114 = tpu.matmul %max3A_109, %get3A_112, %dot_general3A_113 {dimension_numbers = #tpu.dot_dimension_numbers<[1], [0], [0], [1], [0, 0, 1, 1], [], []>, transpose_lhs_hint = false} : vector<4096x256xf32>, vector<256x256xf32>, vector<4096x256xf32> -> vector<4096x256xf32>
    %add3A_115 = vector.broadcast %get3A_16 : vector<1x256xf32> to vector<4096x256xf32>
    %add3A_116 = arith.addf %dot_general3A_114, %add3A_115 : vector<4096x256xf32>
    %mul3A_117 = arith.mulf %add3A_116, %add3A_53 : vector<4096x256xf32>
    %reduce_sum3A_118 = arith.constant dense<0.000000e+00> : vector<4096xf32>
    %reduce_sum3A_119 = vector.multi_reduction <add>, %mul3A_117, %reduce_sum3A_118 [1] : vector<4096x256xf32> to vector<4096xf32>
    %broadcast_in_dim3A_120 = vector.shape_cast %reduce_sum3A_119 : vector<4096xf32> to vector<4096x1xf32>
    %mul3A_121 = arith.mulf %add3A_116, %add3A_116 : vector<4096x256xf32>
    %reduce_sum3A_122 = arith.constant dense<0.000000e+00> : vector<4096xf32>
    %reduce_sum3A_123 = vector.multi_reduction <add>, %mul3A_121, %reduce_sum3A_122 [1] : vector<4096x256xf32> to vector<4096xf32>
    %broadcast_in_dim3A_124 = vector.shape_cast %reduce_sum3A_123 : vector<4096xf32> to vector<4096x1xf32>
    %sqrt3A_125 = math.sqrt %broadcast_in_dim3A_124 : vector<4096x1xf32>
    %mul3A_126 = arith.mulf %add3A_53, %add3A_53 : vector<4096x256xf32>
    %reduce_sum3A_127 = arith.constant dense<0.000000e+00> : vector<4096xf32>
    %reduce_sum3A_128 = vector.multi_reduction <add>, %mul3A_126, %reduce_sum3A_127 [1] : vector<4096x256xf32> to vector<4096xf32>
    %broadcast_in_dim3A_129 = vector.shape_cast %reduce_sum3A_128 : vector<4096xf32> to vector<4096x1xf32>
    %sqrt3A_130 = math.sqrt %broadcast_in_dim3A_129 : vector<4096x1xf32>
    %mul3A_131 = arith.mulf %sqrt3A_125, %sqrt3A_130 : vector<4096x1xf32>
    %max3A_132 = arith.constant 9.99999993E-9 : f32
    %max3A_133 = vector.broadcast %max3A_132 : f32 to vector<4096x1xf32>
    %max3A_134 = arith.maximumf %mul3A_131, %max3A_133 : vector<4096x1xf32>
    %div3A_135 = arith.divf %broadcast_in_dim3A_120, %max3A_134 : vector<4096x1xf32>
    %reduce_sum3A_136 = vector.shape_cast %div3A_135 : vector<4096x1xf32> to vector<1x4096x1xf32>
    %reduce_sum3A_137 = arith.constant dense<0.000000e+00> : vector<1xf32>
    %reduce_sum3A_138 = vector.multi_reduction <add>, %reduce_sum3A_136, %reduce_sum3A_137 [1, 2] : vector<1x4096x1xf32> to vector<1xf32>
    %reduce_sum3A_139 = vector.shape_cast %reduce_sum3A_138 : vector<1xf32> to vector<1x1x1xf32>
    %reduce_sum3A_140 = vector.extract %reduce_sum3A_139[0, 0, 0] : f32 from vector<1x1x1xf32>
    %div3A_141 = arith.constant 4.096000e+03 : f32
    %div3A_142 = arith.divf %reduce_sum3A_140, %div3A_141 : f32
    %neg3A = arith.constant 0.000000e+00 : f32
    %neg3A_143 = arith.subf %neg3A, %div3A_142 : f32
    %get3A_144 = arith.constant 0 : index
    %get3A_145 = arith.constant 0 : index
    %get3A_146 = vector.load %arg7[%get3A_144, %get3A_145] : memref<256x6xf32, #tpu.memory_space<vmem>>, vector<256x6xf32>
    %dot_general3A_147 = arith.constant dense<0.000000e+00> : vector<4096x6xf32>
    %dot_general3A_148 = tpu.matmul %add3A_53, %get3A_146, %dot_general3A_147 {dimension_numbers = #tpu.dot_dimension_numbers<[1], [0], [0], [1], [0, 0, 1, 1], [], []>, transpose_lhs_hint = false} : vector<4096x256xf32>, vector<256x6xf32>, vector<4096x6xf32> -> vector<4096x6xf32>
    %add3A_149 = vector.broadcast %get3A_19 : vector<1x6xf32> to vector<4096x6xf32>
    %add3A_150 = arith.addf %dot_general3A_148, %add3A_149 : vector<4096x6xf32>
    %get3A_151 = arith.constant 0 : index
    %get3A_152 = arith.constant 0 : index
    %get3A_153 = vector.load %arg4[%get3A_151, %get3A_152] : memref<4096x6xf32, #tpu.memory_space<vmem>>, vector<4096x6xf32>
    %sub3A_154 = vector.broadcast %get3A_28 : vector<1x6xf32> to vector<4096x6xf32>
    %sub3A_155 = arith.subf %get3A_153, %sub3A_154 : vector<4096x6xf32>
    %div3A_156 = vector.broadcast %get3A_31 : vector<1x6xf32> to vector<4096x6xf32>
    %div3A_157 = arith.divf %sub3A_155, %div3A_156 : vector<4096x6xf32>
    %sub3A_158 = arith.subf %add3A_150, %div3A_157 : vector<4096x6xf32>
    %mul3A_159 = arith.mulf %sub3A_158, %sub3A_158 : vector<4096x6xf32>
    %reduce_sum3A_160 = vector.shape_cast %mul3A_159 : vector<4096x6xf32> to vector<1x4096x6xf32>
    %reduce_sum3A_161 = arith.constant dense<0.000000e+00> : vector<1xf32>
    %reduce_sum3A_162 = vector.multi_reduction <add>, %reduce_sum3A_160, %reduce_sum3A_161 [1, 2] : vector<1x4096x6xf32> to vector<1xf32>
    %reduce_sum3A_163 = vector.shape_cast %reduce_sum3A_162 : vector<1xf32> to vector<1x1x1xf32>
    %reduce_sum3A_164 = vector.extract %reduce_sum3A_163[0, 0, 0] : f32 from vector<1x1x1xf32>
    %div3A_165 = arith.constant 2.457600e+04 : f32
    %div3A_166 = arith.divf %reduce_sum3A_164, %div3A_165 : f32
    %mul3A_167 = arith.constant 1.000000e+01 : f32
    %mul3A_168 = arith.mulf %div3A_166, %mul3A_167 : f32
    %get3A_169 = arith.constant 0 : index
    %get3A_170 = arith.constant 0 : index
    %get3A_171 = vector.load %arg9[%get3A_169, %get3A_170] : memref<256x41xf32, #tpu.memory_space<vmem>>, vector<256x41xf32>
    %dot_general3A_172 = arith.constant dense<0.000000e+00> : vector<4096x41xf32>
    %dot_general3A_173 = tpu.matmul %add3A_53, %get3A_171, %dot_general3A_172 {dimension_numbers = #tpu.dot_dimension_numbers<[1], [0], [0], [1], [0, 0, 1, 1], [], []>, transpose_lhs_hint = false} : vector<4096x256xf32>, vector<256x41xf32>, vector<4096x41xf32> -> vector<4096x41xf32>
    %add3A_174 = vector.broadcast %get3A_25 : vector<1x41xf32> to vector<4096x41xf32>
    %add3A_175 = arith.addf %dot_general3A_173, %add3A_174 : vector<4096x41xf32>
    %reduce_max3A = arith.constant dense<0xFF800000> : vector<4096xf32>
    %reduce_max3A_176 = vector.multi_reduction <maximumf>, %add3A_175, %reduce_max3A [1] : vector<4096x41xf32> to vector<4096xf32>
    %broadcast_in_dim3A_177 = vector.shape_cast %reduce_max3A_176 : vector<4096xf32> to vector<4096x1xf32>
    %sub3A_178 = vector.broadcast %broadcast_in_dim3A_177 : vector<4096x1xf32> to vector<4096x41xf32>
    %sub3A_179 = arith.subf %add3A_175, %sub3A_178 : vector<4096x41xf32>
    %exp3A_180 = math.exp %sub3A_179 : vector<4096x41xf32>
    %reduce_sum3A_181 = arith.constant dense<0.000000e+00> : vector<4096xf32>
    %reduce_sum3A_182 = vector.multi_reduction <add>, %exp3A_180, %reduce_sum3A_181 [1] : vector<4096x41xf32> to vector<4096xf32>
    %broadcast_in_dim3A_183 = vector.shape_cast %reduce_sum3A_182 : vector<4096xf32> to vector<4096x1xf32>
    %log3A = math.log %broadcast_in_dim3A_183 : vector<4096x1xf32>
    %add3A_184 = arith.addf %broadcast_in_dim3A_177, %log3A : vector<4096x1xf32>
    %iota3A = tpu.iota {dimensions = array<i32: 1>} : vector<4096x41xi32>
    %get3A_185 = arith.constant 0 : index
    %get3A_186 = arith.constant 0 : index
    %get3A_187 = vector.load %arg3[%get3A_185, %get3A_186] : memref<4096x1xi32, #tpu.memory_space<vmem>>, vector<4096x1xi32>
    %eq3A = vector.broadcast %get3A_187 : vector<4096x1xi32> to vector<4096x41xi32>
    %eq3A_188 = arith.cmpi eq, %iota3A, %eq3A : vector<4096x41xi32>
    %jit3A = arith.constant 0.000000e+00 : f32
    %broadcast_in_dim3A_189 = vector.broadcast %jit3A : f32 to vector<4096x41xf32>
    %select_n3A = arith.select %eq3A_188, %add3A_175, %broadcast_in_dim3A_189 : vector<4096x41xi1>, vector<4096x41xf32>
    %reduce_sum3A_190 = arith.constant dense<0.000000e+00> : vector<4096xf32>
    %reduce_sum3A_191 = vector.multi_reduction <add>, %select_n3A, %reduce_sum3A_190 [1] : vector<4096x41xf32> to vector<4096xf32>
    %broadcast_in_dim3A_192 = vector.shape_cast %reduce_sum3A_191 : vector<4096xf32> to vector<4096x1xf32>
    %sub3A_193 = arith.subf %add3A_184, %broadcast_in_dim3A_192 : vector<4096x1xf32>
    %reduce_sum3A_194 = vector.shape_cast %sub3A_193 : vector<4096x1xf32> to vector<1x4096x1xf32>
    %reduce_sum3A_195 = arith.constant dense<0.000000e+00> : vector<1xf32>
    %reduce_sum3A_196 = vector.multi_reduction <add>, %reduce_sum3A_194, %reduce_sum3A_195 [1, 2] : vector<1x4096x1xf32> to vector<1xf32>
    %reduce_sum3A_197 = vector.shape_cast %reduce_sum3A_196 : vector<1xf32> to vector<1x1x1xf32>
    %reduce_sum3A_198 = vector.extract %reduce_sum3A_197[0, 0, 0] : f32 from vector<1x1x1xf32>
    %div3A_199 = arith.constant 4.096000e+03 : f32
    %div3A_200 = arith.divf %reduce_sum3A_198, %div3A_199 : f32
    %get3A_201 = arith.constant 0 : index
    %get3A_202 = arith.constant 0 : index
    %get3A_203 = vector.load %arg8[%get3A_201, %get3A_202] : memref<256x100xf32, #tpu.memory_space<vmem>>, vector<256x100xf32>
    %dot_general3A_204 = arith.constant dense<0.000000e+00> : vector<4096x100xf32>
    %dot_general3A_205 = tpu.matmul %add3A_53, %get3A_203, %dot_general3A_204 {dimension_numbers = #tpu.dot_dimension_numbers<[1], [0], [0], [1], [0, 0, 1, 1], [], []>, transpose_lhs_hint = false} : vector<4096x256xf32>, vector<256x100xf32>, vector<4096x100xf32> -> vector<4096x100xf32>
    %add3A_206 = vector.broadcast %get3A_22 : vector<1x100xf32> to vector<4096x100xf32>
    %add3A_207 = arith.addf %dot_general3A_205, %add3A_206 : vector<4096x100xf32>
    %reduce_max3A_208 = arith.constant dense<0xFF800000> : vector<4096xf32>
    %reduce_max3A_209 = vector.multi_reduction <maximumf>, %add3A_207, %reduce_max3A_208 [1] : vector<4096x100xf32> to vector<4096xf32>
    %broadcast_in_dim3A_210 = vector.shape_cast %reduce_max3A_209 : vector<4096xf32> to vector<4096x1xf32>
    %sub3A_211 = vector.broadcast %broadcast_in_dim3A_210 : vector<4096x1xf32> to vector<4096x100xf32>
    %sub3A_212 = arith.subf %add3A_207, %sub3A_211 : vector<4096x100xf32>
    %exp3A_213 = math.exp %sub3A_212 : vector<4096x100xf32>
    %reduce_sum3A_214 = arith.constant dense<0.000000e+00> : vector<4096xf32>
    %reduce_sum3A_215 = vector.multi_reduction <add>, %exp3A_213, %reduce_sum3A_214 [1] : vector<4096x100xf32> to vector<4096xf32>
    %broadcast_in_dim3A_216 = vector.shape_cast %reduce_sum3A_215 : vector<4096xf32> to vector<4096x1xf32>
    %log3A_217 = math.log %broadcast_in_dim3A_216 : vector<4096x1xf32>
    %add3A_218 = arith.addf %broadcast_in_dim3A_210, %log3A_217 : vector<4096x1xf32>
    %get3A_219 = arith.constant 0 : index
    %get3A_220 = arith.constant 0 : index
    %get3A_221 = vector.load %arg3[%get3A_219, %get3A_220] : memref<4096x1xi32, #tpu.memory_space<vmem>>, vector<4096x1xi32>
    %convert_element_type3A = arith.sitofp %get3A_221 : vector<4096x1xi32> to vector<4096x1xf32>
    %div3A_222 = arith.constant 1.000000e+00 : f32
    %div3A_223 = vector.broadcast %div3A_222 : f32 to vector<4096x1xf32>
    %div3A_224 = arith.divf %div3A_223, %convert_element_type3A : vector<4096x1xf32>
    %mul3A_225 = arith.constant 2.44140625E-4 : f32
    %mul3A_226 = vector.broadcast %mul3A_225 : f32 to vector<4096x1xf32>
    %mul3A_227 = arith.mulf %div3A_224, %mul3A_226 : vector<4096x1xf32>
    %mul3A_228 = vector.broadcast %mul3A_227 : vector<4096x1xf32> to vector<4096x100xf32>
    %mul3A_229 = arith.mulf %add3A_207, %mul3A_228 : vector<4096x100xf32>
    %swap3A = arith.constant 0 : index
    %swap3A_230 = arith.constant 0 : index
    %swap3A_231 = vector.load %arg14[%swap3A, %swap3A_230] : memref<4096x128xf32, #tpu.memory_space<vmem>>, vector<4096x100xf32>
    tpu.vector_store %arg14[%swap3A, %swap3A_230], %mul3A_229 {strides = array<i32>} : memref<4096x128xf32, #tpu.memory_space<vmem>>, vector<4096x100xf32>,
    %add3A_232 = arith.addf %neg3A_143, %mul3A_168 : f32
    %add3A_233 = arith.addf %add3A_232, %div3A_69 : f32
    %add3A_234 = arith.addf %add3A_233, %div3A_200 : f32
    %reduce_sum3A_235 = vector.shape_cast %add3A_218 : vector<4096x1xf32> to vector<1x4096x1xf32>
    %reduce_sum3A_236 = arith.constant dense<0.000000e+00> : vector<1xf32>
    %reduce_sum3A_237 = vector.multi_reduction <add>, %reduce_sum3A_235, %reduce_sum3A_236 [1, 2] : vector<1x4096x1xf32> to vector<1xf32>
    %reduce_sum3A_238 = vector.shape_cast %reduce_sum3A_237 : vector<1xf32> to vector<1x1x1xf32>
    %reduce_sum3A_239 = vector.extract %reduce_sum3A_238[0, 0, 0] : f32 from vector<1x1x1xf32>
    %div3A_240 = arith.constant 4.096000e+03 : f32
    %div3A_241 = arith.divf %reduce_sum3A_239, %div3A_240 : f32
    %add3A_242 = arith.addf %add3A_234, %div3A_241 : f32
    %reshape3A = vector.broadcast %add3A_242 : f32 to vector<1x1xf32>
    %swap3A_243 = arith.constant 0 : index
    %swap3A_244 = arith.constant 0 : index
    %swap3A_245 = vector.load %arg13[%swap3A_243, %swap3A_244] : memref<1x1xf32, #tpu.memory_space<vmem>>, vector<1x1xf32>
    tpu.vector_store %arg13[%swap3A_243, %swap3A_244], %reshape3A {strides = array<i32>} : memref<1x1xf32, #tpu.memory_space<vmem>>, vector<1x1xf32>,
    return
  }
}

</mosaic_0001>

<sc_bundles>
// kernel: kernel.4.cloned.1.call-start
scs
__scs_entry_jumppad:
0x0: {  	(pc) =	sbr.rel $0x88, $3  }
0x1: {  	(tag) =	ssettag $0x0;
	lr =	simm.s32 $0x1  }
0x2: {  	[smem:$0x3F88] =	sst lr;
	_ =	strace $0xD0000000  }
0x3: {  	_ = 	snop  }
0x4: {  	_ = 	snop  }
0x5: {  	_ = 	snop  }
0x6: {  	_ = 	snop  }
0x7: {  	_ = 	snop  }
__scs_overlays_trampoline_lowered:
0x8: {  	[smem:$0x3F97] =	sst s0  }
0x9: {  	[smem:$0x3F98] =	sst s1  }
0xa: {  	[smem:$0x3F99] =	sst s2  }
0xb: {  	[smem:$0x3F9A] =	sst s3  }
0xc: {  	[smem:$0x3F9B] =	sst s4  }
0xd: {  	[smem:$0x3F9C] =	sst s5  }
0xe: {  	[smem:$0x3F9D] =	sst s6  }
0xf: {  	[smem:$0x3F9E] =	sst s7  }
0x10: {  	[smem:$0x3F9F] =	sst s8  }
0x11: {  	[smem:$0x3FA0] =	sst s9;
	s0 =	simm.s32 @!p0 $0x0  }
0x12: {  	s1 =	sld [smem:$0x3F86];
	s0 =	simm.s32 @p0 $0x1  }
0x13: {  	[smem:$0x3FA1] =	sst s0;
	s0 =	simm.s32 @!p1 $0x0  }
0x14: {  	s2 =	sld [smem:$0x3F85];
	s0 =	simm.s32 @p1 $0x1  }
0x15: {  	[smem:$0x3FA2] =	sst s0;
	s0 =	simm.s32 @!p2 $0x0  }
0x16: {  	s3 =	sld [smem:$0x3FDB];
	s0 =	simm.s32 @p2 $0x1  }
0x17: {  	s4 =	simm.s32 $0x1BF5;
	[smem:$0x3FA4] =	sst s0  }
0x18: {  	s0 =	sld [smem:$0x3F87];
	_ =	swait.ge [sflag:s4], $0x0  }
0x19: {  	s7 =	sld [smem:$0x3F88]  }
0x1a: {  	s8 =	sadd.s32 $0xFFFFE003, lr  }
0x1b: {  	s9 =	sadd.s32 $0xFFFFFEF7, lr;
	s5 =	simm.s32 $0xFFFFFFFF;
	p2 =	slt.u32 s8, $0xFFFFF086  }
0x1c: {  	p1 =	slt.u32 s9, $0xF7A;
	s5 =	simm.s32 @!p2 $0x0  }
0x1d: {  	s5 =	simm.s32 @p1 $0x1;
	p0 =	seq.s32 s7, s2  }
0x1e: {  	s7 =	smul.u32 @!p0 $0xF7A, s2;
	p2 =	seq.s32 @!p0 s5, $0x0  }
0x1f: {  	s9 =	smul.u32 $0xF7A, s1;
	s8 =	simm.s32 @!p0 $0x1BF5;
	p2 =	por !p2, p0  }
0x20: {  	[sflag:s8] =	ssyncset.s32 @!p0 $0xFFFFF086;
	s6 =	sadd.s32 @!p0 s3, s7;
	s7 =	simm.s32 @!p0 $0x108  }
0x21: {  	s3 =	sadd.s32 s3, s9;
	s6 =	sadd.s32 @!p0 $0x88, s6;
	s7 =	simm.s32 @p2 $0x1082  }
0x22: {  	[simem:s7], [sflag:s8] =	dma.local @!p0 [hbm:s6], $0xF7A  }
0x23: {  	s9 =	sor.u32 $0xD0000000, s2;
	s6 =	simm.s32 $0x108;
	_ =	swait.ge @!p0 [sflag:s8], $0x0  }
0x24: {  	s3 =	sadd.s32 $0x88, s3;
	s6 =	simm.s32 @!p1 $0x1082;
	[sflag:s4] =	ssyncset.s32 $0xFFFFF086  }
0x25: {  	[simem:s6], [sflag:s4] =	dma.local [hbm:s3], $0xF7A  }
0x26: {  	[smem:$0x3F88] =	sst s1;
	(tag) =	ssettag s2;
	_ =	strace s9  }
0x27: {  	s1 =	sld [smem:$0x3F98]  }
0x28: {  	s2 =	sld [smem:$0x3F99]  }
0x29: {  	s4 =	sld [smem:$0x3F9B]  }
0x2a: {  	p0 =	seq.s32 s5, $0x0;
	s5 =	sld [smem:$0x3F9C]  }
0x2b: {  	s6 =	sld [smem:$0x3F9D]  }
0x2c: {  	s7 =	sld [smem:$0x3F9E]  }
0x2d: {  	s3 =	simm.s32 $0x108;
	s8 =	sld [smem:$0x3F9F]  }
0x2e: {  	s3 =	simm.s32 @!p0 $0x1082;
	s9 =	sld [smem:$0x3FA0]  }
0x2f: {  	lr =	sadd.s32 s0, s3;
	s0 =	sld [smem:$0x3F97]  }
0x30: {  	s3 =	sld [smem:$0x3F9A]  }
0x31: {  	[smem:$0x3FA3] =	sst s10  }
0x32: {  	s10 =	sld [smem:$0x3FA1];
	_ =	sdelay $0x3  }
0x33: {  	p0 =	seq.s32 s10, $0x1;
	s10 =	sld [smem:$0x3FA3];
	_ =	sdelay $0x3  }
0x34: {  	[smem:$0x3FA3] =	sst s10  }
0x35: {  	s10 =	sld [smem:$0x3FA2];
	_ =	sdelay $0x3  }
0x36: {  	p1 =	seq.s32 s10, $0x1;
	s10 =	sld [smem:$0x3FA3];
	_ =	sdelay $0x3  }
0x37: {  	[smem:$0x3FA3] =	sst s10  }
0x38: {  	s10 =	sld [smem:$0x3FA4]  }
0x39: {  	_ = 	snop;
	(pc) =	sbr.ind lr, $3  }
0x3a: {  	_ = 	snop  }
0x3b: {  	_ = 	snop  }
0x3c: {  	p2 =	seq.s32 s10, $0x1;
	s10 =	sld [smem:$0x3FA3]  }
0x3d: {  	_ =	shalt  }
0x3e: {  	_ =	shalt  }
0x3f: {  	_ =	shalt  }
0x40: {  	_ =	shalt  }
0x41: {  	_ =	shalt  }
0x42: {  	_ =	shalt  }
0x43: {  	_ =	shalt  }
0x44: {  	_ =	shalt  }
0x45: {  	_ =	shalt  }
0x46: {  	_ =	shalt  }
0x47: {  	_ =	shalt  }
0x48: {  	_ =	shalt  }
0x49: {  	_ =	shalt  }
0x4a: {  	_ =	shalt  }
0x4b: {  	_ =	shalt  }
0x4c: {  	_ =	shalt  }
0x4d: {  	_ =	shalt  }
0x4e: {  	_ =	shalt  }
0x4f: {  	_ =	shalt  }
0x50: {  	_ =	shalt  }
0x51: {  	_ =	shalt  }
0x52: {  	_ =	shalt  }
0x53: {  	_ =	shalt  }
0x54: {  	_ =	shalt  }
0x55: {  	_ =	shalt  }
0x56: {  	_ =	shalt  }
0x57: {  	_ =	shalt  }
0x58: {  	_ =	shalt  }
0x59: {  	_ =	shalt  }
0x5a: {  	_ =	shalt  }
0x5b: {  	_ =	shalt  }
0x5c: {  	_ =	shalt  }
0x5d: {  	_ =	shalt  }
0x5e: {  	_ =	shalt  }
0x5f: {  	_ =	shalt  }
0x60: {  	_ =	shalt  }
0x61: {  	_ =	shalt  }
0x62: {  	_ =	shalt  }
0x63: {  	_ =	shalt  }
0x64: {  	_ =	shalt  }
0x65: {  	_ =	shalt  }
0x66: {  	_ =	shalt  }
0x67: {  	_ =	shalt  }
0x68: {  	_ =	shalt  }
0x69: {  	_ =	shalt  }
0x6a: {  	_ =	shalt  }
0x6b: {  	_ =	shalt  }
0x6c: {  	_ =	shalt  }
0x6d: {  	_ =	shalt  }
0x6e: {  	_ =	shalt  }
0x6f: {  	_ =	shalt  }
0x70: {  	_ =	shalt  }
0x71: {  	_ =	shalt  }
0x72: {  	_ =	shalt  }
0x73: {  	_ =	shalt  }
0x74: {  	_ =	shalt  }
0x75: {  	_ =	shalt  }
0x76: {  	_ =	shalt  }
0x77: {  	_ =	shalt  }
0x78: {  	_ =	shalt  }
0x79: {  	_ =	shalt  }
0x7a: {  	_ =	shalt  }
0x7b: {  	_ =	shalt  }
0x7c: {  	_ =	shalt  }
0x7d: {  	_ =	shalt  }
0x7e: {  	_ =	shalt  }
0x7f: {  	_ =	shalt  }
0x80: {  	_ =	shalt  }
0x81: {  	_ =	shalt  }
0x82: {  	_ =	shalt  }
0x83: {  	_ =	shalt  }
0x84: {  	_ =	shalt  }
0x85: {  	_ =	shalt  }
0x86: {  	_ =	shalt  }
0x87: {  	_ =	shalt  }
.Lfunc_end0:
.L_simem_size_0:
called_computation_lowered:
.L_overlay_start_0:
0x88: {  	s2 =	sld [smem:$0x3FD9]  }
0x89: {  	s3 =	sld [smem:$0x3FFE];
	_ =	sdelay $0x1  }
0x8a: {  	s1 =	srdreg.scid  }
0x8b: {  	s0 =	sand.u32 $0x1, s1  }
0x8c: {  	s16 =	sshll.u32 s0, $0xA;
	s2 =	sadd.s32 s3, s2  }
0x8d: {  	s2 =	sadd.s32 s2, s16  }
0x8e: {  	[smem:$0x3FAF] =	sst s2  }
0x8f: {  	_ = 	snop  }
0x90: {  	(tm) =	ssettm $0x1  }
0x91: {  	s17 =	sld [smem:$0x3FFB];
	_ =	sdelay $0x3  }
0x92: {  	_ =	strace s17  }
0x93: {  	s2 =	sld [smem:$0x3FFC];
	_ =	sdelay $0x3  }
0x94: {  	_ =	strace s2  }
0x95: {  	s2 =	sld [smem:$0x3FFD];
	_ =	sdelay $0x3  }
0x96: {  	_ =	strace s2  }
0x97: {  	_ =	strace $0x8FFFFFFF  }
0x98: {  	s18 =	sld [smem:$0x3FDB];
	_ =	sdelay $0x1  }
0x99: {  	s19 =	simm.s32 $_scs_section_size  }
0x9a: {  	s4 =	simm.s32 $_size__tile_overlayer_lowered;
	s5 =	simm.s32 $_tile_overlayer_lowered  }
0x9b: {  	s22 =	simm.s32 $0x1BFF;
	s21 =	sshll.u32 s5, $0x1;
	s2 =	sadd.s32 s19, s18  }
0x9c: {  	s6 =	simm.s32 $0x0;
	s20 =	sshll.u32 s4, $0x1;
	s4 =	sadd.s32 s21, s2  }
0x9d: {  	[timem:s6], [sflag:s22] =	dma.local [hbm:s4], s20  }
0x9e: {  	_ =	swait.ge [sflag:s22], s20  }
0x9f: {  	s3 =	ssub.s32 $0x0, s20;
	[sflag:s22] =	ssyncset.done $0x0  }
0xa0: {  	[sflag:s22] =	ssyncadd.s32 s3;
	_ =	sdelay $0x1  }
0xa1: {  	s23 =	simm.s32 $0x1B8B  }
0xa2: {  	_ =	swait.ge [sflag:s23], $0x1  }
0xa3: {  	[sflag:s23] =	ssyncset.done $0x0  }
0xa4: {  	s25 =	simm.s32 $0x1B8E;
	s24 =	sld [smem:$0x3FFE];
	[sflag:s23] =	ssyncadd.s32 $0xFFFFFFFF  }
0xa5: {  	s26 =	simm.s32 $execute0_lowered;
	[smem:$0x3FD2] =	sst s25  }
0xa6: {  	s4 =	sshll.u32 s26, $0x1;
	_ =	strace $0x80000046;
	[dreg:$0x1] =	wrdreg $0xFFFFFFFF  }
0xa7: {  	s28 =	simm.s32 $_size_execute0_lowered;
	s2 =	sadd.s32 s2, s4;
	[dreg:$0x0] =	wrdreg $0x0  }
0xa8: {  	s4 =	sshll.u32 s28, $0x1;
	[dreg:$0x2] =	wrdreg s2  }
0xa9: {  	[dreg:$0x3] =	wrdreg s4  }
0xaa: {  	[dreg:$0x4] =	wrdreg $0xC0  }
0xab: {  	_ =	task [dreg:s6], $0x5FFFF  }
0xac: {  	[dreg:$0x1] =	wrdreg $0xFFFFFFFF  }
0xad: {  	[dreg:$0x0] =	wrdreg $0x60  }
0xae: {  	[dreg:$0x2] =	wrdreg s24  }
0xaf: {  	[dreg:$0x3] =	wrdreg $0x9  }
0xb0: {  	_ =	task.clear_ibuf [dreg:s6], $0x4FFFF;
	_ =	strace $0x90000046  }
0xb1: {  	s29 =	simm.s32 $0x9;
	_ =	strace $0x80000048  }
0xb2: {  	_ =	swait.ge [sflag:s29], $0x1  }
0xb3: {  	[sflag:s29] =	ssyncadd.s32 $0xFFFFFFFF  }
0xb4: {  	_ =	strace $0x90000048  }
0xb5: {  	_ =	sfence  }
0xb6: {  	s30 =	sld [smem:$0x0];
	_ =	sdelay $0x2  }
0xb7: {  	s31 =	sshll.u32 s1, $0xD;
	s1 =	sshrl.u32 s1, $0x2  }
0xb8: {  	s3 =	sand.u32 $0x4000, s31;
	s1 =	sadd.s32 s1, s30  }
0xb9: {  	s0 =	sor.u32 s3, s0;
	s1 =	sshll.u32 s1, $0x11  }
0xba: {  	s0 =	sor.u32 s1, s0  }
0xbb: {  	s0 =	sadd.s32 $0x8F2B, s0  }
0xbc: {  	[sflag:s0] =	ssyncadd.remote.s32 $0x1  }
0xbd: {  	_ =	sfence.sel $0xFFFF  }
0xbe: {  	[dreg:$0x0] =	wrdreg $0xFFFFFFFF;
	(pc) =	sbr.abs _section_cstart, $3  }
0xbf: {  	[dreg:$0x1] =	wrdreg $0xFFFFFFFF  }
0xc0: {  	_ =	task.clear_ibuf [dreg:s6], $0x2FFFF;
	_ =	strace $0x9FFFFFFF  }
0xc1: {  	(tm) =	ssettm $0x7FFFFFFF  }
tec
execute0_lowered:
.L_overlay_start_1:
0x0: {  	(tag) =	ssettag $0x1  }
0x1: {  	s1 =	srdreg.scid  }
0x2: {  	s0 =	stileid.u32;
	s4 =	rddreg [dreg:$0x0];
	s2 =	simm.s32 $0x0  }
0x3: {  	s10 =	simm.s32 $0x80;
	s11 =	simm.s32 $0x2;
	s13 =	simm.s32 $0x3  }
0x4: {  	s5 =	sand.u32 $0x1, s1;
	s3 =	sshll.u32 s0, $0x1;
	s1 =	rddreg [dreg:$0x1]  }
0x5: {  	s14 =	simm.s32 $0x0;
	[smem:$0x7FF] =	sst s2;
	s6 =	sor.u32 s5, s3  }
0x6: {  	_ =	strace $0x80000047;
	s5 =	ssub.s32 $0x2, s5;
	s7 =	smul.u32 $0xA00, s6  }
0x7: {  	v0 =	vlaneseq.u32;
	s3 =	sadd.s32 $0x8200, s4;
	s6 =	sshll.u32 s6, $0x4;
	s9 =	sshrl.u32 s5, $0x1  }
0x8: {  	v0 =	vmul.u32 $0xFFFFFFFF, v0;
	s6 =	sadd.s32 s6, s4;
	s9 =	ssub.s32 s5, s9;
	s8 =	sshrl.u32 s7, $0x3  }
0x9: {  	s12 =	ssub.s32 $0x13FF6, s7;
	s6 =	sadd.s32 $0x18200, s6;
	s7 =	smax.u32 s9, $0x1  }
0xa: {  	s9 =	simm.s32 $0x1;
	s8 =	sadd.s32 s8, s4;
	v0 =	vadd.s32 s12, v0;
	s12 =	simm.s32 $0x2800  }
0xb: {  	s4 =	sadd.s32 $0x3200, s8;
	s5 =	sadd.s32 $0x5A00, s8;
	s8 =	simm.s32 $0xA00  }
.LBB2_1:
0xc: {  	[tilespmem:s2], [sflag:$0x1] =	stream.linear.gather [hbm4b:s4+s2], $0xA00, $0x38;
	[tilespmem:$0x2880] =	vst v63  }
0xd: {  	_ = 	snop  }
0xe: {  	[tilespmem:s8], [sflag:$0x1] =	stream.linear.gather [hbm4b:s5+s2], $0xA00, $0x38;
	[tilespmem:$0x2880] =	vst v63  }
0xf: {  	_ =	swait.ge [sflag:s9], $0xA00  }
0x10: {  	[sflag:s9] =	ssyncset.done $0x0  }
0x11: {  	[sflag:s9] =	ssyncadd.s32 $0xFFFFF600  }
0x12: {  	_ =	swait.ge [sflag:s9], $0xA00  }
0x13: {  	[sflag:s9] =	ssyncset.done $0x0  }
0x14: {  	s15 =	simm.s32 $0x0;
	[sflag:s9] =	ssyncadd.s32 $0xFFFFF600  }
0x15: {  	v7 =	vld [tilespmem:s15+$0xA00]  }
0x16: {  	v6 =	vld [tilespmem:s15+$0xA10]  }
0x17: {  	v5 =	vld [tilespmem:s15+$0xA20]  }
0x18: {  	v4 =	vld [tilespmem:s15+$0xA30]  }
0x19: {  	v3 =	vld [tilespmem:s15+$0xA40]  }
0x1a: {  	v2 =	vld [tilespmem:s15+$0xA50]  }
0x1b: {  	v1 =	vld [tilespmem:s15+$0xA60]  }
0x1c: {  	v8 =	vld [tilespmem:s15+$0x0]  }
0x1d: {  	v12 =	vld [tilespmem:s15+$0x10]  }
0x1e: {  	v11 =	vld [tilespmem:s15+$0x20]  }
0x1f: {  	v10 =	vld [tilespmem:s15+$0x30]  }
0x20: {  	v9 =	vld [tilespmem:s15+$0x40]  }
0x21: {  	v13 =	vshll.u32 v8, $0x7;
	v8 =	vld [tilespmem:s15+$0x50]  }
0x22: {  	s16 =	simm.s32 $0x200;
	v12 =	vshll.u32 v12, $0x7;
	v13 =	vadd.s32 v13, v7;
	v7 =	vld [tilespmem:s15+$0x60]  }
.LBB2_2:
0x23: {  	p0 =	sne.s32 s16, $0x2600;
	v13 =	vadd.s32 $0xFFFFFFFF, v13;
	v6 =	vadd.s32 v12, v6;
	v11 =	vshll.u32 v11, $0x7;
	v12 =	vld [tilespmem:s15+$0x70]  }
0x24: {  	[tilespmem:s15+$0x1400] =	vst v13;
	v6 =	vadd.s32 $0xFFFFFFFF, v6;
	v5 =	vadd.s32 v11, v5;
	v10 =	vshll.u32 v10, $0x7;
	v11 =	vld [tilespmem:s15+$0xA70]  }
0x25: {  	[tilespmem:s15+$0x1410] =	vst v6;
	v5 =	vadd.s32 $0xFFFFFFFF, v5;
	v4 =	vadd.s32 v10, v4;
	v6 =	vshll.u32 v9, $0x7  }
0x26: {  	[tilespmem:s15+$0x1420] =	vst v5;
	v4 =	vadd.s32 $0xFFFFFFFF, v4;
	v3 =	vadd.s32 v6, v3;
	v5 =	vshll.u32 v8, $0x7  }
0x27: {  	[tilespmem:s15+$0x1430] =	vst v4;
	v3 =	vadd.s32 $0xFFFFFFFF, v3;
	v2 =	vadd.s32 v5, v2;
	v4 =	vshll.u32 v7, $0x7  }
0x28: {  	[tilespmem:s15+$0x1440] =	vst v3;
	v2 =	vadd.s32 $0xFFFFFFFF, v2;
	v1 =	vadd.s32 v4, v1;
	v3 =	vshll.u32 v12, $0x7  }
0x29: {  	[tilespmem:s15+$0x1450] =	vst v2;
	v1 =	vadd.s32 $0xFFFFFFFF, v1;
	v2 =	vadd.s32 v3, v11  }
0x2a: {  	s17 =	sshra.s32 s16, $0x2;
	s18 =	sadd.s32 $0x1400, s15;
	s19 =	sadd.s32 $0x1E00, s15;
	[tilespmem:s15+$0x1460] =	vst v1;
	v1 =	vadd.s32 $0xFFFFFFFF, v2  }
0x2b: {  	[tilespmem:s15+$0x1470] =	vst v1;
	[tilespmem:s19], [sflag:$0x2] =	stream.indirect.gather [hbm4b:s3+s10], $0x1, s18, s10, $0xb8  }
0x2c: {  	s15 =	smov.u32 s17;
	v7 =	vld [tilespmem:s17+$0xA00]  }
0x2d: {  	v6 =	vld [tilespmem:s15+$0xA10]  }
0x2e: {  	v5 =	vld [tilespmem:s15+$0xA20]  }
0x2f: {  	v4 =	vld [tilespmem:s15+$0xA30]  }
0x30: {  	v3 =	vld [tilespmem:s15+$0xA40]  }
0x31: {  	v2 =	vld [tilespmem:s15+$0xA50]  }
0x32: {  	v1 =	vld [tilespmem:s15+$0xA60]  }
0x33: {  	v8 =	vld [tilespmem:s15+$0x0]  }
0x34: {  	v12 =	vld [tilespmem:s15+$0x10]  }
.Ltmp0:
0x35: {  	v11 =	vld [tilespmem:s15+$0x20];
	(pc) =	sbr.rel @p0 .LBB2_2-.Ltmp0, $4  }
0x36: {  	v10 =	vld [tilespmem:s15+$0x30]  }
0x37: {  	v9 =	vld [tilespmem:s15+$0x40]  }
0x38: {  	v13 =	vshll.u32 v8, $0x7;
	v8 =	vld [tilespmem:s15+$0x50]  }
0x39: {  	s16 =	sadd.s32 $0x200, s16;
	v13 =	vadd.s32 v13, v7;
	v12 =	vshll.u32 v12, $0x7;
	v7 =	vld [tilespmem:s15+$0x60]  }
0x3a: {  	v13 =	vadd.s32 $0xFFFFFFFF, v13;
	v14 =	vld [tilespmem:s15+$0x70];
	v6 =	vadd.s32 v12, v6;
	v11 =	vshll.u32 v11, $0x7  }
0x3b: {  	v63 =	vld [tilespmem:s15+$0xA70];
	[tilespmem:s15+$0x1400] =	vst v13;
	v6 =	vadd.s32 $0xFFFFFFFF, v6;
	v5 =	vadd.s32 v11, v5;
	v10 =	vshll.u32 v10, $0x7  }
0x3c: {  	[tilespmem:s15+$0x1410] =	vst v6;
	v5 =	vadd.s32 $0xFFFFFFFF, v5;
	v4 =	vadd.s32 v10, v4;
	v6 =	vshll.u32 v9, $0x7  }
0x3d: {  	[tilespmem:s15+$0x1420] =	vst v5;
	v4 =	vadd.s32 $0xFFFFFFFF, v4;
	v3 =	vadd.s32 v6, v3;
	v5 =	vshll.u32 v8, $0x7  }
0x3e: {  	[tilespmem:s15+$0x1430] =	vst v4;
	v3 =	vadd.s32 $0xFFFFFFFF, v3;
	v2 =	vadd.s32 v5, v2;
	v4 =	vshll.u32 v7, $0x7  }
0x3f: {  	[tilespmem:s15+$0x1440] =	vst v3;
	v2 =	vadd.s32 $0xFFFFFFFF, v2;
	v1 =	vadd.s32 v4, v1;
	v3 =	vshll.u32 v14, $0x7  }
0x40: {  	[tilespmem:s15+$0x1450] =	vst v2;
	v1 =	vadd.s32 $0xFFFFFFFF, v1;
	v2 =	vadd.s32 v3, v63  }
0x41: {  	[tilespmem:s15+$0x1460] =	vst v1;
	v1 =	vadd.s32 $0xFFFFFFFF, v2  }
0x42: {  	s16 =	sadd.s32 $0x1400, s15;
	s17 =	sadd.s32 $0x1E00, s15;
	[tilespmem:s15+$0x1470] =	vst v1  }
0x43: {  	[tilespmem:s17], [sflag:$0x2] =	stream.indirect.gather [hbm4b:s3+s10], $0x1, s16, s10, $0xb8;
	[tilespmem:$0x2880] =	vst v63  }
0x44: {  	_ =	swait.ge [sflag:s11], $0xA00  }
0x45: {  	[sflag:s11] =	ssyncset.done $0x0  }
0x46: {  	s23 =	simm.s32 $0x1E40;
	[sflag:s11] =	ssyncadd.s32 $0xFFFFF600  }
0x47: {  	v1 =	vld [tilespmem:s23+$0xFFFFFFC0];
	_ =	sdelay $0x1  }
0x48: {  	s24 =	simm.s32 $0x0;
	v2 =	vld [tilespmem:s23+$0xFFFFFFD0]  }
0x49: {  	v3 =	vmov s24  }
0x4a: {  	s25 =	simm.s32 $0x10;
	vm0 =	vlt.u32 v3, v0;
	v3 =	vld [tilespmem:s23+$0xFFFFFFE0]  }
0x4b: {  	v5 =	vmov s25;
	v4 =	vimm.f32 $0.0e+00;
	v1 =	vnsel vm0, $0x0, v1  }
0x4c: {  	s26 =	simm.s32 $0x20;
	vm0 =	vlt.u32 v5, v0;
	v1 =	vadd.f32 v1, v4;
	v4 =	vld [tilespmem:s23+$0xFFFFFFF0]  }
0x4d: {  	v5 =	vmov s26;
	v2 =	vnsel vm0, $0x0, v2  }
0x4e: {  	s28 =	simm.s32 $0x30;
	vm0 =	vlt.u32 v5, v0;
	v1 =	vadd.f32 v2, v1;
	v2 =	vld [tilespmem:s23+$0x0]  }
0x4f: {  	v5 =	vmov s28;
	v3 =	vnsel vm0, $0x0, v3  }
0x50: {  	s29 =	simm.s32 $0x40;
	vm0 =	vlt.u32 v5, v0;
	v5 =	vld [tilespmem:s23+$0x10];
	v1 =	vadd.f32 v3, v1  }
0x51: {  	v3 =	vnsel vm0, $0x0, v4;
	v4 =	vmov s29  }
0x52: {  	s30 =	simm.s32 $0x50;
	v1 =	vadd.f32 v3, v1;
	vm0 =	vlt.u32 v4, v0;
	v3 =	vld [tilespmem:s23+$0x20]  }
0x53: {  	v4 =	vmov s30;
	v2 =	vnsel vm0, $0x0, v2  }
0x54: {  	s31 =	simm.s32 $0x60;
	vm0 =	vlt.u32 v4, v0;
	v6 =	vadd.f32 v2, v1;
	v1 =	vld [tilespmem:s23+$0x30]  }
0x55: {  	s16 =	simm.s32 $0x1EC0;
	v4 =	vnsel vm0, $0x0, v5;
	v5 =	vmov s31  }
0x56: {  	s18 =	simm.s32 $0x170;
	s15 =	simm.s32 $0xF0;
	s17 =	simm.s32 $0x70;
	v2 =	vld [tilespmem:s16+$0xFFFFFFC0];
	vm0 =	vlt.u32 v5, v0;
	v4 =	vadd.f32 v4, v6  }
.LBB2_4:
0x57: {  	p0 =	sne.s32 s18, $0x9F0;
	v3 =	vnsel vm0, $0x0, v3;
	v5 =	vmov s17;
	s17 =	smov.u32 s15;
	s15 =	smov.u32 s18  }
0x58: {  	s19 =	sadd.s32 $0xFFFFFF90, s17;
	v6 =	vld [tilespmem:s16+$0xFFFFFFD0];
	v3 =	vadd.f32 v3, v4;
	vm0 =	vlt.u32 v5, v0  }
0x59: {  	v4 =	vmov s19;
	v1 =	vnsel vm0, $0x0, v1  }
0x5a: {  	s19 =	sadd.s32 $0xFFFFFFA0, s17;
	vm0 =	vlt.u32 v4, v0;
	v4 =	vld [tilespmem:s16+$0xFFFFFFE0];
	v1 =	vadd.f32 v1, v3  }
0x5b: {  	v3 =	vmov s19;
	v2 =	vnsel vm0, $0x0, v2  }
0x5c: {  	s19 =	sadd.s32 $0xFFFFFFB0, s17;
	vm0 =	vlt.u32 v3, v0;
	v1 =	vadd.f32 v2, v1;
	v2 =	vld [tilespmem:s16+$0xFFFFFFF0]  }
0x5d: {  	v5 =	vmov s19;
	v3 =	vnsel vm0, $0x0, v6  }
0x5e: {  	s19 =	sadd.s32 $0xFFFFFFC0, s17;
	vm0 =	vlt.u32 v5, v0;
	v1 =	vadd.f32 v3, v1;
	v5 =	vld [tilespmem:s16+$0x0]  }
0x5f: {  	v3 =	vnsel vm0, $0x0, v4;
	v4 =	vmov s19  }
0x60: {  	s19 =	sadd.s32 $0xFFFFFFD0, s17;
	v1 =	vadd.f32 v3, v1;
	vm0 =	vlt.u32 v4, v0;
	v4 =	vld [tilespmem:s16+$0x10]  }
0x61: {  	v3 =	vmov s19;
	v2 =	vnsel vm0, $0x0, v2  }
.Ltmp1:
0x62: {  	s19 =	sadd.s32 $0xFFFFFFE0, s17;
	vm0 =	vlt.u32 v3, v0;
	v1 =	vadd.f32 v2, v1;
	v3 =	vld [tilespmem:s16+$0x20];
	(pc) =	sbr.rel @p0 .LBB2_4-.Ltmp1, $4  }
0x63: {  	v2 =	vnsel vm0, $0x0, v5;
	v5 =	vmov s19  }
0x64: {  	s19 =	sadd.s32 $0xFFFFFFF0, s17;
	v6 =	vadd.f32 v2, v1;
	vm0 =	vlt.u32 v5, v0;
	v1 =	vld [tilespmem:s16+$0x30]  }
0x65: {  	v5 =	vmov s19;
	s16 =	sadd.s32 $0x80, s16;
	v4 =	vnsel vm0, $0x0, v4  }
0x66: {  	s18 =	sadd.s32 $0x80, s18;
	vm0 =	vlt.u32 v5, v0;
	v2 =	vld [tilespmem:s16+$0xFFFFFFC0];
	v4 =	vadd.f32 v4, v6  }
0x67: {  	v3 =	vnsel vm0, $0x0, v3;
	v5 =	vmov s17  }
0x68: {  	s24 =	sadd.s32 $0xFFFFFF90, s15;
	v6 =	vld [tilespmem:s16+$0xFFFFFFD0];
	v3 =	vadd.f32 v3, v4;
	vm7 =	vlt.u32 v5, v0  }
0x69: {  	v55 =	vmov s24;
	v1 =	vnsel vm7, $0x0, v1  }
0x6a: {  	s25 =	sadd.s32 $0xFFFFFFA0, s15;
	v56 =	vld [tilespmem:s16+$0xFFFFFFE0];
	vm8 =	vlt.u32 v55, v0;
	v1 =	vadd.f32 v1, v3  }
0x6b: {  	v3 =	vmov s25;
	v2 =	vnsel vm8, $0x0, v2  }
0x6c: {  	s26 =	sadd.s32 $0xFFFFFFB0, s15;
	vm9 =	vlt.u32 v3, v0;
	v1 =	vadd.f32 v2, v1;
	v2 =	vld [tilespmem:s16+$0xFFFFFFF0]  }
0x6d: {  	v57 =	vmov s26;
	v3 =	vnsel vm9, $0x0, v6  }
0x6e: {  	s28 =	sadd.s32 $0xFFFFFFC0, s15;
	vm10 =	vlt.u32 v57, v0;
	v1 =	vadd.f32 v3, v1;
	v3 =	vld [tilespmem:s16+$0x0]  }
0x6f: {  	v58 =	vmov s28;
	v4 =	vnsel vm10, $0x0, v56  }
0x70: {  	s29 =	sadd.s32 $0xFFFFFFD0, s15;
	v59 =	vld [tilespmem:s16+$0x10];
	vm11 =	vlt.u32 v58, v0;
	v1 =	vadd.f32 v4, v1  }
0x71: {  	v60 =	vmov s29;
	v2 =	vnsel vm11, $0x0, v2  }
0x72: {  	s30 =	sadd.s32 $0xFFFFFFE0, s15;
	vm12 =	vlt.u32 v60, v0;
	v1 =	vadd.f32 v2, v1;
	v2 =	vld [tilespmem:s16+$0x20]  }
0x73: {  	v61 =	vmov s30;
	v3 =	vnsel vm12, $0x0, v3  }
0x74: {  	s31 =	sadd.s32 $0xFFFFFFF0, s15;
	vm13 =	vlt.u32 v61, v0;
	v1 =	vadd.f32 v3, v1;
	v3 =	vld [tilespmem:s16+$0x30]  }
0x75: {  	v62 =	vmov s31;
	v4 =	vnsel vm13, $0x0, v59  }
0x76: {  	vm14 =	vlt.u32 v62, v0;
	v1 =	vadd.f32 v4, v1  }
0x77: {  	v63 =	vmov s15;
	v2 =	vnsel vm14, $0x0, v2  }
0x78: {  	vm15 =	vlt.u32 v63, v0;
	v1 =	vadd.f32 v2, v1  }
0x79: {  	v2 =	vnsel vm15, $0x0, v3  }
0x7a: {  	s14 =	sadd.s32 $0x1, s14;
	v1 =	vadd.f32 v2, v1  }
0x7b: {  	p0 =	sne.s32 s14, s7  }
.Ltmp2:
0x7c: {  	[tilespmem:$0x2800] =	vst v1;
	(pc) =	sbr.rel @p0 .LBB2_1-.Ltmp2, $4  }
0x7d: {  	[hbm4b:s6+s2] =	stream.linear.scatter [tilespmem:s12], [sflag:$0x3], $0x80, $0x38;
	[tilespmem:$0x2880] =	vst v63  }
0x7e: {  	_ =	swait.ge [sflag:s13], $0x80  }
0x7f: {  	[sflag:s13] =	ssyncset.done $0x0  }
0x80: {  	[sflag:s13] =	ssyncadd.s32 $0xFFFFFF80  }
0x81: {  	_ =	sfence.sel $0x180000  }
0x82: {  	[bflag:$0x0] =	sbarrier.arrive $0xFFFF  }
0x83: {  	p0 =	sne.s32 s0, $0x0;
	_ =	strace $0x90000047  }
0x84: {  	s0 =	sadd.s32 @!p0 $0x100000, s1;
	[bflag:$0x2] =	sbarrier.arrive $0xFFFF  }
0x85: {  	[sflag:s0] =	ssyncadd.tile.s32 @!p0 $0x1;
	_ =	shalt  }
.Lfunc_end2:
_tile_overlayer_lowered:
.L_overlay_start_2:
0x86: {  	(tag) =	ssettag $0x2  }
0x87: {  	s0 =	rddreg [dreg:$0x0];
	s2 =	stileid.u32  }
0x88: {  	s1 =	rddreg [dreg:$0x1];
	p0 =	sne.s32 s2, $0x0  }
0x89: {  	s3 =	rddreg [dreg:$0x2];
	[bflag:$0x3] =	sbarrier.arrive $0xFFFF;
	s2 =	simm.s32 @!p0 $0x1C03  }
0x8a: {  	[timem:s3], [sflag:s2] =	dma.local @!p0 [hbm:s0], s1  }
0x8b: {  	s0 =	simm.s32 @!p0 $0x3  }
0x8c: {  	_ =	swait.ge @!p0 [sflag:s0], s1  }
0x8d: {  	s1 =	ssub.s32 @!p0 $0x0, s1;
	[sflag:s0] =	ssyncset.done @!p0 $0x0  }
0x8e: {  	[sflag:s0] =	ssyncadd.s32 @!p0 s1  }
0x8f: {  	[bflag:$0x3] =	sbarrier.arrive $0xFFFF  }
0x90: {  	_ =	shalt  }

</sc_bundles>
